<compile_context>
chip_gen: v7x
topology: tpu7x:2x2x1
jax: 0.10.2.dev20260603
libtpu: 0.0.44.dev20260713+nightly
codegen_flags: <defaults>
</compile_context>

<pallas_src>
import functools

import jax
import jax.numpy as jnp
from jax import lax
from jax.experimental import pallas as pl
from jax.experimental.pallas import tpu as pltpu
from jax.experimental.pallas import tpu_sc as plsc

_KPROB = 0.5
_SCALE = 1.0 / _KPROB
_BLOCK = 256 * 1024


def _dropout_body(v_ref, r_ref, o_ref):
    mask = jnp.floor(r_ref[...] + _KPROB)
    o_ref[...] = v_ref[...] * (mask * _SCALE)


def _tc_dropout(values, rand_vals):
    nnz = values.shape[0]
    grid = pl.cdiv(nnz, _BLOCK)
    return pl.pallas_call(
        _dropout_body,
        grid=(grid,),
        in_specs=[
            pl.BlockSpec((_BLOCK,), lambda i: (i,)),
            pl.BlockSpec((_BLOCK,), lambda i: (i,)),
        ],
        out_specs=pl.BlockSpec((_BLOCK,), lambda i: (i,)),
        out_shape=jax.ShapeDtypeStruct((nnz,), jnp.float32),
    )(values, rand_vals)


@functools.lru_cache(maxsize=None)
def _make_sc_copy(rows: int, cols: int):
    info = plsc.get_sparse_core_info()
    nc, ns = info.num_cores, info.num_subcores
    nw = nc * ns
    wc = 8064
    w = (cols // (nw * 128)) * 128
    tailc = cols - nw * w
    nfull = w // wc
    rem = w - nfull * wc
    nch = nfull + (1 if rem else 0)

    mesh = plsc.VectorSubcoreMesh(core_axis_name="c", subcore_axis_name="s")

    @functools.partial(
        pl.kernel,
        mesh=mesh,
        out_type=jax.ShapeDtypeStruct((rows, cols), jnp.int32),
        scratch_types=[
            pltpu.VMEM_SHARED((ns, 2, rows, wc), jnp.int32),
            pltpu.SemaphoreType.DMA,
            pltpu.SemaphoreType.DMA,
            pltpu.SemaphoreType.DMA,
            pltpu.SemaphoreType.DMA,
        ],
    )
    def sc_copy(src, dst, shared, in0, in1, out0, out1):
        c = lax.axis_index("c")
        s = lax.axis_index("s")
        wid = s * nc + c
        base = wid * w
        in_sems = (in0, in1)
        out_sems = (out0, out1)

        def cwidth(k):
            return wc if k < nfull else rem

        def sbuf(k):
            if cwidth(k) == wc:
                return shared.at[s, k % 2]
            return shared.at[s, k % 2, :, pl.ds(0, cwidth(k))]

        def hslice(ref, k):
            return ref.at[:, pl.ds(base + k * wc, cwidth(k))]

        ins = {}
        outs = {}
        ins[0] = pltpu.async_copy(hslice(src, 0), sbuf(0), in_sems[0])
        for k in range(nch):
            if k + 1 < nch:
                if k - 1 >= 0:
                    outs[k - 1].wait()
                ins[k + 1] = pltpu.async_copy(
                    hslice(src, k + 1), sbuf(k + 1), in_sems[(k + 1) % 2]
                )
            ins[k].wait()
            outs[k] = pltpu.async_copy(
                sbuf(k), hslice(dst, k), out_sems[k % 2]
            )
        for k in (nch - 2, nch - 1):
            if k >= 0:
                outs[k].wait()

        def bounce(col, width):
            sbuf2 = shared.at[s, 0, :, pl.ds(0, width)]
            pltpu.sync_copy(src.at[:, pl.ds(col, width)], sbuf2)
            pltpu.sync_copy(sbuf2, dst.at[:, pl.ds(col, width)])

        if tailc:
            tcol = nw * w
            t128 = (tailc // 128) * 128
            tlast = tailc - t128

            @pl.when(wid == 0)
            def _():
                if t128:
                    bounce(tcol, t128)
                if tlast:
                    def tail_body(tbuf):
                        for r in range(rows):
                            pltpu.sync_copy(
                                src.at[r, pl.ds(tcol + t128, tlast)], tbuf
                            )
                            pltpu.sync_copy(
                                tbuf, dst.at[r, pl.ds(tcol + t128, tlast)]
                            )

                    pl.run_scoped(tail_body, pltpu.VMEM((tlast,), jnp.int32))

    return sc_copy


def kernel(indices, values, rand_vals):
    idx_out = _make_sc_copy(*indices.shape)(indices)
    new_vals = _tc_dropout(values, rand_vals)
    return idx_out, new_vals

# --- scband reference (transcript-rebuilt; emitter-appended) ---
"""Pipeline reference for scband-sparse-dropout-17626545783659 (READ-ONLY COPY).

The authoritative reference and input builder live on the scoring server;
editing this copy changes nothing except your own understanding.
"""

import jax, jax.numpy as jnp
import numpy as np

N = 65536
NNZ = 4294967
P = 0.5
KPROB = 1.0 - P

def setup_inputs(seed: int = 0):
    key = jax.random.key(seed)
    k1, k2, k3 = jax.random.split(key, 3)
    indices = jax.random.randint(k1, (2, NNZ), 0, N, dtype=jnp.int32)
    values = jax.random.normal(k2, (NNZ,), dtype=jnp.float32)
    rand_vals = jax.random.uniform(k3, (NNZ,), dtype=jnp.float32)
    return {"indices": indices, "values": values, "rand_vals": rand_vals}

def reference(indices, values, rand_vals):
    # torch: mask = (rand + kprob).floor().bool(); keep masked entries, scale by 1/kprob.
    # JAX static-shape equivalent: zero out dropped values at the same nnz slots
    # (a sparse tensor with explicit zeros is mathematically identical).
    mask = jnp.floor(rand_vals + KPROB)  # 1.0 with prob kprob, else 0.0
    new_vals = values * mask * (1.0 / KPROB)
    return indices, new_vals

if __name__ == "__main__":
    import jax
    _d = setup_inputs()
    print(jax.jit(kernel)(*tuple(_d.values())))

</pallas_src>

<mosaic_0001>
#map = affine_map<(d0, d1) -> (0, 0)>
module attributes {stable_mosaic.version = 14 : i64} {
  func.func @sc_copy(%arg0: i32, %arg1: i32, %arg2: memref<2x4294967xi32, #tpu.memory_space<hbm>>, %arg3: memref<2x4294967xi32, #tpu.memory_space<hbm>>, %arg4: memref<16x2x2x8064xi32, #tpu.memory_space<vmem_shared>>, %arg5: memref<!tpu.dma_semaphore, #tpu.memory_space<semaphore_mem>>, %arg6: memref<!tpu.dma_semaphore, #tpu.memory_space<semaphore_mem>>, %arg7: memref<!tpu.dma_semaphore, #tpu.memory_space<semaphore_mem>>, %arg8: memref<!tpu.dma_semaphore, #tpu.memory_space<semaphore_mem>>) attributes {dimension_semantics = [#tpu.dimension_semantics<core_parallel>, #tpu.dimension_semantics<subcore_parallel>], iteration_bounds = array<i64: 2, 16>, scalar_prefetch = 0 : i64, scratch_operands = 5 : i64, tpu.core_type = #tpu.core_type<sc_vector_subcore>, window_params = [{transform_indices = #map}, {transform_indices = #map}]} {
    %mul3A = arith.constant 2 : i32
    %mul3A_0 = arith.muli %arg1, %mul3A : i32
    %add3A = arith.addi %mul3A_0, %arg0 : i32
    %mul3A_1 = arith.constant 134144 : i32
    %mul3A_2 = arith.muli %add3A, %mul3A_1 : i32
    %add3A_3 = arith.constant 0 : i32
    %add3A_4 = arith.addi %mul3A_2, %add3A_3 : i32
    %dma_start3A = arith.constant 0 : i32
    %dma_start3A_5 = arith.constant 0 : i32
    %dma_start3A_6 = arith.constant 0 : i32
    %dma_start3A_7 = tpu.memref_slice %arg4[%arg1, %dma_start3A, %dma_start3A_5, %dma_start3A_6] : memref<16x2x2x8064xi32, #tpu.memory_space<vmem_shared>> -> memref<1x1x2x8064xi32, #tpu.memory_space<vmem_shared>>
    %dma_start3A_8 = tpu.memref_squeeze %dma_start3A_7 : memref<1x1x2x8064xi32, #tpu.memory_space<vmem_shared>> -> memref<2x8064xi32, #tpu.memory_space<vmem_shared>>
    %dma_start3A_9 = arith.constant 0 : i32
    %dma_start3A_10 = tpu.memref_slice %arg2[%dma_start3A_9, %add3A_4] : memref<2x4294967xi32, #tpu.memory_space<hbm>> -> memref<2x8064xi32, #tpu.memory_space<hbm>>
    tpu.enqueue_dma source(%dma_start3A_10 : memref<2x8064xi32, #tpu.memory_space<hbm>>) target(%dma_start3A_8 : memref<2x8064xi32, #tpu.memory_space<vmem_shared>>) target_semaphore(%arg5 : memref<!tpu.dma_semaphore, #tpu.memory_space<semaphore_mem>>)
    %add3A_11 = arith.constant 8064 : i32
    %add3A_12 = arith.addi %mul3A_2, %add3A_11 : i32
    %dma_start3A_13 = arith.constant 1 : i32
    %dma_start3A_14 = arith.constant 0 : i32
    %dma_start3A_15 = arith.constant 0 : i32
    %dma_start3A_16 = tpu.memref_slice %arg4[%arg1, %dma_start3A_13, %dma_start3A_14, %dma_start3A_15] : memref<16x2x2x8064xi32, #tpu.memory_space<vmem_shared>> -> memref<1x1x2x8064xi32, #tpu.memory_space<vmem_shared>>
    %dma_start3A_17 = tpu.memref_squeeze %dma_start3A_16 : memref<1x1x2x8064xi32, #tpu.memory_space<vmem_shared>> -> memref<2x8064xi32, #tpu.memory_space<vmem_shared>>
    %dma_start3A_18 = arith.constant 0 : i32
    %dma_start3A_19 = tpu.memref_slice %arg2[%dma_start3A_18, %add3A_12] : memref<2x4294967xi32, #tpu.memory_space<hbm>> -> memref<2x8064xi32, #tpu.memory_space<hbm>>
    tpu.enqueue_dma source(%dma_start3A_19 : memref<2x8064xi32, #tpu.memory_space<hbm>>) target(%dma_start3A_17 : memref<2x8064xi32, #tpu.memory_space<vmem_shared>>) target_semaphore(%arg6 : memref<!tpu.dma_semaphore, #tpu.memory_space<semaphore_mem>>)
    %dma_wait3A = arith.constant 0 : i32
    %dma_wait3A_20 = arith.constant 0 : i32
    %dma_wait3A_21 = arith.constant 0 : i32
    %dma_wait3A_22 = tpu.memref_slice %arg4[%arg1, %dma_wait3A, %dma_wait3A_20, %dma_wait3A_21] : memref<16x2x2x8064xi32, #tpu.memory_space<vmem_shared>> -> memref<1x1x2x8064xi32, #tpu.memory_space<vmem_shared>>
    %dma_wait3A_23 = tpu.memref_squeeze %dma_wait3A_22 : memref<1x1x2x8064xi32, #tpu.memory_space<vmem_shared>> -> memref<2x8064xi32, #tpu.memory_space<vmem_shared>>
    %dma_wait3A_24 = arith.constant 0 : i32
    %dma_wait3A_25 = tpu.memref_slice %arg2[%dma_wait3A_24, %add3A_4] : memref<2x4294967xi32, #tpu.memory_space<hbm>> -> memref<2x8064xi32, #tpu.memory_space<hbm>>
    tpu.wait_dma2 semaphore(%arg5 : memref<!tpu.dma_semaphore, #tpu.memory_space<semaphore_mem>>) src(%dma_wait3A_25 : memref<2x8064xi32, #tpu.memory_space<hbm>>) dst(%dma_wait3A_23 : memref<2x8064xi32, #tpu.memory_space<vmem_shared>>)
    %add3A_26 = arith.constant 0 : i32
    %add3A_27 = arith.addi %mul3A_2, %add3A_26 : i32
    %dma_start3A_28 = arith.constant 0 : i32
    %dma_start3A_29 = arith.constant 0 : i32
    %dma_start3A_30 = tpu.memref_slice %arg3[%dma_start3A_29, %add3A_27] : memref<2x4294967xi32, #tpu.memory_space<hbm>> -> memref<2x8064xi32, #tpu.memory_space<hbm>>
    %dma_start3A_31 = arith.constant 0 : i32
    %dma_start3A_32 = arith.constant 0 : i32
    %dma_start3A_33 = tpu.memref_slice %arg4[%arg1, %dma_start3A_28, %dma_start3A_31, %dma_start3A_32] : memref<16x2x2x8064xi32, #tpu.memory_space<vmem_shared>> -> memref<1x1x2x8064xi32, #tpu.memory_space<vmem_shared>>
    %dma_start3A_34 = tpu.memref_squeeze %dma_start3A_33 : memref<1x1x2x8064xi32, #tpu.memory_space<vmem_shared>> -> memref<2x8064xi32, #tpu.memory_space<vmem_shared>>
    tpu.enqueue_dma source(%dma_start3A_34 : memref<2x8064xi32, #tpu.memory_space<vmem_shared>>) target(%dma_start3A_30 : memref<2x8064xi32, #tpu.memory_space<hbm>>) target_semaphore(%arg7 : memref<!tpu.dma_semaphore, #tpu.memory_space<semaphore_mem>>)
    %dma_wait3A_35 = arith.constant 0 : i32
    %dma_wait3A_36 = arith.constant 0 : i32
    %dma_wait3A_37 = tpu.memref_slice %arg3[%dma_wait3A_36, %add3A_27] : memref<2x4294967xi32, #tpu.memory_space<hbm>> -> memref<2x8064xi32, #tpu.memory_space<hbm>>
    %dma_wait3A_38 = arith.constant 0 : i32
    %dma_wait3A_39 = arith.constant 0 : i32
    %dma_wait3A_40 = tpu.memref_slice %arg4[%arg1, %dma_wait3A_35, %dma_wait3A_38, %dma_wait3A_39] : memref<16x2x2x8064xi32, #tpu.memory_space<vmem_shared>> -> memref<1x1x2x8064xi32, #tpu.memory_space<vmem_shared>>
    %dma_wait3A_41 = tpu.memref_squeeze %dma_wait3A_40 : memref<1x1x2x8064xi32, #tpu.memory_space<vmem_shared>> -> memref<2x8064xi32, #tpu.memory_space<vmem_shared>>
    tpu.wait_dma2 semaphore(%arg7 : memref<!tpu.dma_semaphore, #tpu.memory_space<semaphore_mem>>) src(%dma_wait3A_41 : memref<2x8064xi32, #tpu.memory_space<vmem_shared>>) dst(%dma_wait3A_37 : memref<2x8064xi32, #tpu.memory_space<hbm>>)
    %add3A_42 = arith.constant 16128 : i32
    %add3A_43 = arith.addi %mul3A_2, %add3A_42 : i32
    %dma_start3A_44 = arith.constant 0 : i32
    %dma_start3A_45 = arith.constant 0 : i32
    %dma_start3A_46 = arith.constant 0 : i32
    %dma_start3A_47 = tpu.memref_slice %arg4[%arg1, %dma_start3A_44, %dma_start3A_45, %dma_start3A_46] : memref<16x2x2x8064xi32, #tpu.memory_space<vmem_shared>> -> memref<1x1x2x8064xi32, #tpu.memory_space<vmem_shared>>
    %dma_start3A_48 = tpu.memref_squeeze %dma_start3A_47 : memref<1x1x2x8064xi32, #tpu.memory_space<vmem_shared>> -> memref<2x8064xi32, #tpu.memory_space<vmem_shared>>
    %dma_start3A_49 = arith.constant 0 : i32
    %dma_start3A_50 = tpu.memref_slice %arg2[%dma_start3A_49, %add3A_43] : memref<2x4294967xi32, #tpu.memory_space<hbm>> -> memref<2x8064xi32, #tpu.memory_space<hbm>>
    tpu.enqueue_dma source(%dma_start3A_50 : memref<2x8064xi32, #tpu.memory_space<hbm>>) target(%dma_start3A_48 : memref<2x8064xi32, #tpu.memory_space<vmem_shared>>) target_semaphore(%arg5 : memref<!tpu.dma_semaphore, #tpu.memory_space<semaphore_mem>>)
    %dma_wait3A_51 = arith.constant 1 : i32
    %dma_wait3A_52 = arith.constant 0 : i32
    %dma_wait3A_53 = arith.constant 0 : i32
    %dma_wait3A_54 = tpu.memref_slice %arg4[%arg1, %dma_wait3A_51, %dma_wait3A_52, %dma_wait3A_53] : memref<16x2x2x8064xi32, #tpu.memory_space<vmem_shared>> -> memref<1x1x2x8064xi32, #tpu.memory_space<vmem_shared>>
    %dma_wait3A_55 = tpu.memref_squeeze %dma_wait3A_54 : memref<1x1x2x8064xi32, #tpu.memory_space<vmem_shared>> -> memref<2x8064xi32, #tpu.memory_space<vmem_shared>>
    %dma_wait3A_56 = arith.constant 0 : i32
    %dma_wait3A_57 = tpu.memref_slice %arg2[%dma_wait3A_56, %add3A_12] : memref<2x4294967xi32, #tpu.memory_space<hbm>> -> memref<2x8064xi32, #tpu.memory_space<hbm>>
    tpu.wait_dma2 semaphore(%arg6 : memref<!tpu.dma_semaphore, #tpu.memory_space<semaphore_mem>>) src(%dma_wait3A_57 : memref<2x8064xi32, #tpu.memory_space<hbm>>) dst(%dma_wait3A_55 : memref<2x8064xi32, #tpu.memory_space<vmem_shared>>)
    %add3A_58 = arith.constant 8064 : i32
    %add3A_59 = arith.addi %mul3A_2, %add3A_58 : i32
    %dma_start3A_60 = arith.constant 1 : i32
    %dma_start3A_61 = arith.constant 0 : i32
    %dma_start3A_62 = tpu.memref_slice %arg3[%dma_start3A_61, %add3A_59] : memref<2x4294967xi32, #tpu.memory_space<hbm>> -> memref<2x8064xi32, #tpu.memory_space<hbm>>
    %dma_start3A_63 = arith.constant 0 : i32
    %dma_start3A_64 = arith.constant 0 : i32
    %dma_start3A_65 = tpu.memref_slice %arg4[%arg1, %dma_start3A_60, %dma_start3A_63, %dma_start3A_64] : memref<16x2x2x8064xi32, #tpu.memory_space<vmem_shared>> -> memref<1x1x2x8064xi32, #tpu.memory_space<vmem_shared>>
    %dma_start3A_66 = tpu.memref_squeeze %dma_start3A_65 : memref<1x1x2x8064xi32, #tpu.memory_space<vmem_shared>> -> memref<2x8064xi32, #tpu.memory_space<vmem_shared>>
    tpu.enqueue_dma source(%dma_start3A_66 : memref<2x8064xi32, #tpu.memory_space<vmem_shared>>) target(%dma_start3A_62 : memref<2x8064xi32, #tpu.memory_space<hbm>>) target_semaphore(%arg8 : memref<!tpu.dma_semaphore, #tpu.memory_space<semaphore_mem>>)
    %dma_wait3A_67 = arith.constant 1 : i32
    %dma_wait3A_68 = arith.constant 0 : i32
    %dma_wait3A_69 = tpu.memref_slice %arg3[%dma_wait3A_68, %add3A_59] : memref<2x4294967xi32, #tpu.memory_space<hbm>> -> memref<2x8064xi32, #tpu.memory_space<hbm>>
    %dma_wait3A_70 = arith.constant 0 : i32
    %dma_wait3A_71 = arith.constant 0 : i32
    %dma_wait3A_72 = tpu.memref_slice %arg4[%arg1, %dma_wait3A_67, %dma_wait3A_70, %dma_wait3A_71] : memref<16x2x2x8064xi32, #tpu.memory_space<vmem_shared>> -> memref<1x1x2x8064xi32, #tpu.memory_space<vmem_shared>>
    %dma_wait3A_73 = tpu.memref_squeeze %dma_wait3A_72 : memref<1x1x2x8064xi32, #tpu.memory_space<vmem_shared>> -> memref<2x8064xi32, #tpu.memory_space<vmem_shared>>
    tpu.wait_dma2 semaphore(%arg8 : memref<!tpu.dma_semaphore, #tpu.memory_space<semaphore_mem>>) src(%dma_wait3A_73 : memref<2x8064xi32, #tpu.memory_space<vmem_shared>>) dst(%dma_wait3A_69 : memref<2x8064xi32, #tpu.memory_space<hbm>>)
    %add3A_74 = arith.constant 24192 : i32
    %add3A_75 = arith.addi %mul3A_2, %add3A_74 : i32
    %dma_start3A_76 = arith.constant 1 : i32
    %dma_start3A_77 = arith.constant 0 : i32
    %dma_start3A_78 = arith.constant 0 : i32
    %dma_start3A_79 = tpu.memref_slice %arg4[%arg1, %dma_start3A_76, %dma_start3A_77, %dma_start3A_78] : memref<16x2x2x8064xi32, #tpu.memory_space<vmem_shared>> -> memref<1x1x2x8064xi32, #tpu.memory_space<vmem_shared>>
    %dma_start3A_80 = tpu.memref_squeeze %dma_start3A_79 : memref<1x1x2x8064xi32, #tpu.memory_space<vmem_shared>> -> memref<2x8064xi32, #tpu.memory_space<vmem_shared>>
    %dma_start3A_81 = arith.constant 0 : i32
    %dma_start3A_82 = tpu.memref_slice %arg2[%dma_start3A_81, %add3A_75] : memref<2x4294967xi32, #tpu.memory_space<hbm>> -> memref<2x8064xi32, #tpu.memory_space<hbm>>
    tpu.enqueue_dma source(%dma_start3A_82 : memref<2x8064xi32, #tpu.memory_space<hbm>>) target(%dma_start3A_80 : memref<2x8064xi32, #tpu.memory_space<vmem_shared>>) target_semaphore(%arg6 : memref<!tpu.dma_semaphore, #tpu.memory_space<semaphore_mem>>)
    %dma_wait3A_83 = arith.constant 0 : i32
    %dma_wait3A_84 = arith.constant 0 : i32
    %dma_wait3A_85 = arith.constant 0 : i32
    %dma_wait3A_86 = tpu.memref_slice %arg4[%arg1, %dma_wait3A_83, %dma_wait3A_84, %dma_wait3A_85] : memref<16x2x2x8064xi32, #tpu.memory_space<vmem_shared>> -> memref<1x1x2x8064xi32, #tpu.memory_space<vmem_shared>>
    %dma_wait3A_87 = tpu.memref_squeeze %dma_wait3A_86 : memref<1x1x2x8064xi32, #tpu.memory_space<vmem_shared>> -> memref<2x8064xi32, #tpu.memory_space<vmem_shared>>
    %dma_wait3A_88 = arith.constant 0 : i32
    %dma_wait3A_89 = tpu.memref_slice %arg2[%dma_wait3A_88, %add3A_43] : memref<2x4294967xi32, #tpu.memory_space<hbm>> -> memref<2x8064xi32, #tpu.memory_space<hbm>>
    tpu.wait_dma2 semaphore(%arg5 : memref<!tpu.dma_semaphore, #tpu.memory_space<semaphore_mem>>) src(%dma_wait3A_89 : memref<2x8064xi32, #tpu.memory_space<hbm>>) dst(%dma_wait3A_87 : memref<2x8064xi32, #tpu.memory_space<vmem_shared>>)
    %add3A_90 = arith.constant 16128 : i32
    %add3A_91 = arith.addi %mul3A_2, %add3A_90 : i32
    %dma_start3A_92 = arith.constant 0 : i32
    %dma_start3A_93 = arith.constant 0 : i32
    %dma_start3A_94 = tpu.memref_slice %arg3[%dma_start3A_93, %add3A_91] : memref<2x4294967xi32, #tpu.memory_space<hbm>> -> memref<2x8064xi32, #tpu.memory_space<hbm>>
    %dma_start3A_95 = arith.constant 0 : i32
    %dma_start3A_96 = arith.constant 0 : i32
    %dma_start3A_97 = tpu.memref_slice %arg4[%arg1, %dma_start3A_92, %dma_start3A_95, %dma_start3A_96] : memref<16x2x2x8064xi32, #tpu.memory_space<vmem_shared>> -> memref<1x1x2x8064xi32, #tpu.memory_space<vmem_shared>>
    %dma_start3A_98 = tpu.memref_squeeze %dma_start3A_97 : memref<1x1x2x8064xi32, #tpu.memory_space<vmem_shared>> -> memref<2x8064xi32, #tpu.memory_space<vmem_shared>>
    tpu.enqueue_dma source(%dma_start3A_98 : memref<2x8064xi32, #tpu.memory_space<vmem_shared>>) target(%dma_start3A_94 : memref<2x8064xi32, #tpu.memory_space<hbm>>) target_semaphore(%arg7 : memref<!tpu.dma_semaphore, #tpu.memory_space<semaphore_mem>>)
    %dma_wait3A_99 = arith.constant 0 : i32
    %dma_wait3A_100 = arith.constant 0 : i32
    %dma_wait3A_101 = tpu.memref_slice %arg3[%dma_wait3A_100, %add3A_91] : memref<2x4294967xi32, #tpu.memory_space<hbm>> -> memref<2x8064xi32, #tpu.memory_space<hbm>>
    %dma_wait3A_102 = arith.constant 0 : i32
    %dma_wait3A_103 = arith.constant 0 : i32
    %dma_wait3A_104 = tpu.memref_slice %arg4[%arg1, %dma_wait3A_99, %dma_wait3A_102, %dma_wait3A_103] : memref<16x2x2x8064xi32, #tpu.memory_space<vmem_shared>> -> memref<1x1x2x8064xi32, #tpu.memory_space<vmem_shared>>
    %dma_wait3A_105 = tpu.memref_squeeze %dma_wait3A_104 : memref<1x1x2x8064xi32, #tpu.memory_space<vmem_shared>> -> memref<2x8064xi32, #tpu.memory_space<vmem_shared>>
    tpu.wait_dma2 semaphore(%arg7 : memref<!tpu.dma_semaphore, #tpu.memory_space<semaphore_mem>>) src(%dma_wait3A_105 : memref<2x8064xi32, #tpu.memory_space<vmem_shared>>) dst(%dma_wait3A_101 : memref<2x8064xi32, #tpu.memory_space<hbm>>)
    %add3A_106 = arith.constant 32256 : i32
    %add3A_107 = arith.addi %mul3A_2, %add3A_106 : i32
    %dma_start3A_108 = arith.constant 0 : i32
    %dma_start3A_109 = arith.constant 0 : i32
    %dma_start3A_110 = arith.constant 0 : i32
    %dma_start3A_111 = tpu.memref_slice %arg4[%arg1, %dma_start3A_108, %dma_start3A_109, %dma_start3A_110] : memref<16x2x2x8064xi32, #tpu.memory_space<vmem_shared>> -> memref<1x1x2x8064xi32, #tpu.memory_space<vmem_shared>>
    %dma_start3A_112 = tpu.memref_squeeze %dma_start3A_111 : memref<1x1x2x8064xi32, #tpu.memory_space<vmem_shared>> -> memref<2x8064xi32, #tpu.memory_space<vmem_shared>>
    %dma_start3A_113 = arith.constant 0 : i32
    %dma_start3A_114 = tpu.memref_slice %arg2[%dma_start3A_113, %add3A_107] : memref<2x4294967xi32, #tpu.memory_space<hbm>> -> memref<2x8064xi32, #tpu.memory_space<hbm>>
    tpu.enqueue_dma source(%dma_start3A_114 : memref<2x8064xi32, #tpu.memory_space<hbm>>) target(%dma_start3A_112 : memref<2x8064xi32, #tpu.memory_space<vmem_shared>>) target_semaphore(%arg5 : memref<!tpu.dma_semaphore, #tpu.memory_space<semaphore_mem>>)
    %dma_wait3A_115 = arith.constant 1 : i32
    %dma_wait3A_116 = arith.constant 0 : i32
    %dma_wait3A_117 = arith.constant 0 : i32
    %dma_wait3A_118 = tpu.memref_slice %arg4[%arg1, %dma_wait3A_115, %dma_wait3A_116, %dma_wait3A_117] : memref<16x2x2x8064xi32, #tpu.memory_space<vmem_shared>> -> memref<1x1x2x8064xi32, #tpu.memory_space<vmem_shared>>
    %dma_wait3A_119 = tpu.memref_squeeze %dma_wait3A_118 : memref<1x1x2x8064xi32, #tpu.memory_space<vmem_shared>> -> memref<2x8064xi32, #tpu.memory_space<vmem_shared>>
    %dma_wait3A_120 = arith.constant 0 : i32
    %dma_wait3A_121 = tpu.memref_slice %arg2[%dma_wait3A_120, %add3A_75] : memref<2x4294967xi32, #tpu.memory_space<hbm>> -> memref<2x8064xi32, #tpu.memory_space<hbm>>
    tpu.wait_dma2 semaphore(%arg6 : memref<!tpu.dma_semaphore, #tpu.memory_space<semaphore_mem>>) src(%dma_wait3A_121 : memref<2x8064xi32, #tpu.memory_space<hbm>>) dst(%dma_wait3A_119 : memref<2x8064xi32, #tpu.memory_space<vmem_shared>>)
    %add3A_122 = arith.constant 24192 : i32
    %add3A_123 = arith.addi %mul3A_2, %add3A_122 : i32
    %dma_start3A_124 = arith.constant 1 : i32
    %dma_start3A_125 = arith.constant 0 : i32
    %dma_start3A_126 = tpu.memref_slice %arg3[%dma_start3A_125, %add3A_123] : memref<2x4294967xi32, #tpu.memory_space<hbm>> -> memref<2x8064xi32, #tpu.memory_space<hbm>>
    %dma_start3A_127 = arith.constant 0 : i32
    %dma_start3A_128 = arith.constant 0 : i32
    %dma_start3A_129 = tpu.memref_slice %arg4[%arg1, %dma_start3A_124, %dma_start3A_127, %dma_start3A_128] : memref<16x2x2x8064xi32, #tpu.memory_space<vmem_shared>> -> memref<1x1x2x8064xi32, #tpu.memory_space<vmem_shared>>
    %dma_start3A_130 = tpu.memref_squeeze %dma_start3A_129 : memref<1x1x2x8064xi32, #tpu.memory_space<vmem_shared>> -> memref<2x8064xi32, #tpu.memory_space<vmem_shared>>
    tpu.enqueue_dma source(%dma_start3A_130 : memref<2x8064xi32, #tpu.memory_space<vmem_shared>>) target(%dma_start3A_126 : memref<2x8064xi32, #tpu.memory_space<hbm>>) target_semaphore(%arg8 : memref<!tpu.dma_semaphore, #tpu.memory_space<semaphore_mem>>)
    %dma_wait3A_131 = arith.constant 1 : i32
    %dma_wait3A_132 = arith.constant 0 : i32
    %dma_wait3A_133 = tpu.memref_slice %arg3[%dma_wait3A_132, %add3A_123] : memref<2x4294967xi32, #tpu.memory_space<hbm>> -> memref<2x8064xi32, #tpu.memory_space<hbm>>
    %dma_wait3A_134 = arith.constant 0 : i32
    %dma_wait3A_135 = arith.constant 0 : i32
    %dma_wait3A_136 = tpu.memref_slice %arg4[%arg1, %dma_wait3A_131, %dma_wait3A_134, %dma_wait3A_135] : memref<16x2x2x8064xi32, #tpu.memory_space<vmem_shared>> -> memref<1x1x2x8064xi32, #tpu.memory_space<vmem_shared>>
    %dma_wait3A_137 = tpu.memref_squeeze %dma_wait3A_136 : memref<1x1x2x8064xi32, #tpu.memory_space<vmem_shared>> -> memref<2x8064xi32, #tpu.memory_space<vmem_shared>>
    tpu.wait_dma2 semaphore(%arg8 : memref<!tpu.dma_semaphore, #tpu.memory_space<semaphore_mem>>) src(%dma_wait3A_137 : memref<2x8064xi32, #tpu.memory_space<vmem_shared>>) dst(%dma_wait3A_133 : memref<2x8064xi32, #tpu.memory_space<hbm>>)
    %add3A_138 = arith.constant 40320 : i32
    %add3A_139 = arith.addi %mul3A_2, %add3A_138 : i32
    %dma_start3A_140 = arith.constant 1 : i32
    %dma_start3A_141 = arith.constant 0 : i32
    %dma_start3A_142 = arith.constant 0 : i32
    %dma_start3A_143 = tpu.memref_slice %arg4[%arg1, %dma_start3A_140, %dma_start3A_141, %dma_start3A_142] : memref<16x2x2x8064xi32, #tpu.memory_space<vmem_shared>> -> memref<1x1x2x8064xi32, #tpu.memory_space<vmem_shared>>
    %dma_start3A_144 = tpu.memref_squeeze %dma_start3A_143 : memref<1x1x2x8064xi32, #tpu.memory_space<vmem_shared>> -> memref<2x8064xi32, #tpu.memory_space<vmem_shared>>
    %dma_start3A_145 = arith.constant 0 : i32
    %dma_start3A_146 = tpu.memref_slice %arg2[%dma_start3A_145, %add3A_139] : memref<2x4294967xi32, #tpu.memory_space<hbm>> -> memref<2x8064xi32, #tpu.memory_space<hbm>>
    tpu.enqueue_dma source(%dma_start3A_146 : memref<2x8064xi32, #tpu.memory_space<hbm>>) target(%dma_start3A_144 : memref<2x8064xi32, #tpu.memory_space<vmem_shared>>) target_semaphore(%arg6 : memref<!tpu.dma_semaphore, #tpu.memory_space<semaphore_mem>>)
    %dma_wait3A_147 = arith.constant 0 : i32
    %dma_wait3A_148 = arith.constant 0 : i32
    %dma_wait3A_149 = arith.constant 0 : i32
    %dma_wait3A_150 = tpu.memref_slice %arg4[%arg1, %dma_wait3A_147, %dma_wait3A_148, %dma_wait3A_149] : memref<16x2x2x8064xi32, #tpu.memory_space<vmem_shared>> -> memref<1x1x2x8064xi32, #tpu.memory_space<vmem_shared>>
    %dma_wait3A_151 = tpu.memref_squeeze %dma_wait3A_150 : memref<1x1x2x8064xi32, #tpu.memory_space<vmem_shared>> -> memref<2x8064xi32, #tpu.memory_space<vmem_shared>>
    %dma_wait3A_152 = arith.constant 0 : i32
    %dma_wait3A_153 = tpu.memref_slice %arg2[%dma_wait3A_152, %add3A_107] : memref<2x4294967xi32, #tpu.memory_space<hbm>> -> memref<2x8064xi32, #tpu.memory_space<hbm>>
    tpu.wait_dma2 semaphore(%arg5 : memref<!tpu.dma_semaphore, #tpu.memory_space<semaphore_mem>>) src(%dma_wait3A_153 : memref<2x8064xi32, #tpu.memory_space<hbm>>) dst(%dma_wait3A_151 : memref<2x8064xi32, #tpu.memory_space<vmem_shared>>)
    %add3A_154 = arith.constant 32256 : i32
    %add3A_155 = arith.addi %mul3A_2, %add3A_154 : i32
    %dma_start3A_156 = arith.constant 0 : i32
    %dma_start3A_157 = arith.constant 0 : i32
    %dma_start3A_158 = tpu.memref_slice %arg3[%dma_start3A_157, %add3A_155] : memref<2x4294967xi32, #tpu.memory_space<hbm>> -> memref<2x8064xi32, #tpu.memory_space<hbm>>
    %dma_start3A_159 = arith.constant 0 : i32
    %dma_start3A_160 = arith.constant 0 : i32
    %dma_start3A_161 = tpu.memref_slice %arg4[%arg1, %dma_start3A_156, %dma_start3A_159, %dma_start3A_160] : memref<16x2x2x8064xi32, #tpu.memory_space<vmem_shared>> -> memref<1x1x2x8064xi32, #tpu.memory_space<vmem_shared>>
    %dma_start3A_162 = tpu.memref_squeeze %dma_start3A_161 : memref<1x1x2x8064xi32, #tpu.memory_space<vmem_shared>> -> memref<2x8064xi32, #tpu.memory_space<vmem_shared>>
    tpu.enqueue_dma source(%dma_start3A_162 : memref<2x8064xi32, #tpu.memory_space<vmem_shared>>) target(%dma_start3A_158 : memref<2x8064xi32, #tpu.memory_space<hbm>>) target_semaphore(%arg7 : memref<!tpu.dma_semaphore, #tpu.memory_space<semaphore_mem>>)
    %dma_wait3A_163 = arith.constant 0 : i32
    %dma_wait3A_164 = arith.constant 0 : i32
    %dma_wait3A_165 = tpu.memref_slice %arg3[%dma_wait3A_164, %add3A_155] : memref<2x4294967xi32, #tpu.memory_space<hbm>> -> memref<2x8064xi32, #tpu.memory_space<hbm>>
    %dma_wait3A_166 = arith.constant 0 : i32
    %dma_wait3A_167 = arith.constant 0 : i32
    %dma_wait3A_168 = tpu.memref_slice %arg4[%arg1, %dma_wait3A_163, %dma_wait3A_166, %dma_wait3A_167] : memref<16x2x2x8064xi32, #tpu.memory_space<vmem_shared>> -> memref<1x1x2x8064xi32, #tpu.memory_space<vmem_shared>>
    %dma_wait3A_169 = tpu.memref_squeeze %dma_wait3A_168 : memref<1x1x2x8064xi32, #tpu.memory_space<vmem_shared>> -> memref<2x8064xi32, #tpu.memory_space<vmem_shared>>
    tpu.wait_dma2 semaphore(%arg7 : memref<!tpu.dma_semaphore, #tpu.memory_space<semaphore_mem>>) src(%dma_wait3A_169 : memref<2x8064xi32, #tpu.memory_space<vmem_shared>>) dst(%dma_wait3A_165 : memref<2x8064xi32, #tpu.memory_space<hbm>>)
    %add3A_170 = arith.constant 48384 : i32
    %add3A_171 = arith.addi %mul3A_2, %add3A_170 : i32
    %dma_start3A_172 = arith.constant 0 : i32
    %dma_start3A_173 = arith.constant 0 : i32
    %dma_start3A_174 = arith.constant 0 : i32
    %dma_start3A_175 = tpu.memref_slice %arg4[%arg1, %dma_start3A_172, %dma_start3A_173, %dma_start3A_174] : memref<16x2x2x8064xi32, #tpu.memory_space<vmem_shared>> -> memref<1x1x2x8064xi32, #tpu.memory_space<vmem_shared>>
    %dma_start3A_176 = tpu.memref_squeeze %dma_start3A_175 : memref<1x1x2x8064xi32, #tpu.memory_space<vmem_shared>> -> memref<2x8064xi32, #tpu.memory_space<vmem_shared>>
    %dma_start3A_177 = arith.constant 0 : i32
    %dma_start3A_178 = tpu.memref_slice %arg2[%dma_start3A_177, %add3A_171] : memref<2x4294967xi32, #tpu.memory_space<hbm>> -> memref<2x8064xi32, #tpu.memory_space<hbm>>
    tpu.enqueue_dma source(%dma_start3A_178 : memref<2x8064xi32, #tpu.memory_space<hbm>>) target(%dma_start3A_176 : memref<2x8064xi32, #tpu.memory_space<vmem_shared>>) target_semaphore(%arg5 : memref<!tpu.dma_semaphore, #tpu.memory_space<semaphore_mem>>)
    %dma_wait3A_179 = arith.constant 1 : i32
    %dma_wait3A_180 = arith.constant 0 : i32
    %dma_wait3A_181 = arith.constant 0 : i32
    %dma_wait3A_182 = tpu.memref_slice %arg4[%arg1, %dma_wait3A_179, %dma_wait3A_180, %dma_wait3A_181] : memref<16x2x2x8064xi32, #tpu.memory_space<vmem_shared>> -> memref<1x1x2x8064xi32, #tpu.memory_space<vmem_shared>>
    %dma_wait3A_183 = tpu.memref_squeeze %dma_wait3A_182 : memref<1x1x2x8064xi32, #tpu.memory_space<vmem_shared>> -> memref<2x8064xi32, #tpu.memory_space<vmem_shared>>
    %dma_wait3A_184 = arith.constant 0 : i32
    %dma_wait3A_185 = tpu.memref_slice %arg2[%dma_wait3A_184, %add3A_139] : memref<2x4294967xi32, #tpu.memory_space<hbm>> -> memref<2x8064xi32, #tpu.memory_space<hbm>>
    tpu.wait_dma2 semaphore(%arg6 : memref<!tpu.dma_semaphore, #tpu.memory_space<semaphore_mem>>) src(%dma_wait3A_185 : memref<2x8064xi32, #tpu.memory_space<hbm>>) dst(%dma_wait3A_183 : memref<2x8064xi32, #tpu.memory_space<vmem_shared>>)
    %add3A_186 = arith.constant 40320 : i32
    %add3A_187 = arith.addi %mul3A_2, %add3A_186 : i32
    %dma_start3A_188 = arith.constant 1 : i32
    %dma_start3A_189 = arith.constant 0 : i32
    %dma_start3A_190 = tpu.memref_slice %arg3[%dma_start3A_189, %add3A_187] : memref<2x4294967xi32, #tpu.memory_space<hbm>> -> memref<2x8064xi32, #tpu.memory_space<hbm>>
    %dma_start3A_191 = arith.constant 0 : i32
    %dma_start3A_192 = arith.constant 0 : i32
    %dma_start3A_193 = tpu.memref_slice %arg4[%arg1, %dma_start3A_188, %dma_start3A_191, %dma_start3A_192] : memref<16x2x2x8064xi32, #tpu.memory_space<vmem_shared>> -> memref<1x1x2x8064xi32, #tpu.memory_space<vmem_shared>>
    %dma_start3A_194 = tpu.memref_squeeze %dma_start3A_193 : memref<1x1x2x8064xi32, #tpu.memory_space<vmem_shared>> -> memref<2x8064xi32, #tpu.memory_space<vmem_shared>>
    tpu.enqueue_dma source(%dma_start3A_194 : memref<2x8064xi32, #tpu.memory_space<vmem_shared>>) target(%dma_start3A_190 : memref<2x8064xi32, #tpu.memory_space<hbm>>) target_semaphore(%arg8 : memref<!tpu.dma_semaphore, #tpu.memory_space<semaphore_mem>>)
    %dma_wait3A_195 = arith.constant 1 : i32
    %dma_wait3A_196 = arith.constant 0 : i32
    %dma_wait3A_197 = tpu.memref_slice %arg3[%dma_wait3A_196, %add3A_187] : memref<2x4294967xi32, #tpu.memory_space<hbm>> -> memref<2x8064xi32, #tpu.memory_space<hbm>>
    %dma_wait3A_198 = arith.constant 0 : i32
    %dma_wait3A_199 = arith.constant 0 : i32
    %dma_wait3A_200 = tpu.memref_slice %arg4[%arg1, %dma_wait3A_195, %dma_wait3A_198, %dma_wait3A_199] : memref<16x2x2x8064xi32, #tpu.memory_space<vmem_shared>> -> memref<1x1x2x8064xi32, #tpu.memory_space<vmem_shared>>
    %dma_wait3A_201 = tpu.memref_squeeze %dma_wait3A_200 : memref<1x1x2x8064xi32, #tpu.memory_space<vmem_shared>> -> memref<2x8064xi32, #tpu.memory_space<vmem_shared>>
    tpu.wait_dma2 semaphore(%arg8 : memref<!tpu.dma_semaphore, #tpu.memory_space<semaphore_mem>>) src(%dma_wait3A_201 : memref<2x8064xi32, #tpu.memory_space<vmem_shared>>) dst(%dma_wait3A_197 : memref<2x8064xi32, #tpu.memory_space<hbm>>)
    %add3A_202 = arith.constant 56448 : i32
    %add3A_203 = arith.addi %mul3A_2, %add3A_202 : i32
    %dma_start3A_204 = arith.constant 1 : i32
    %dma_start3A_205 = arith.constant 0 : i32
    %dma_start3A_206 = arith.constant 0 : i32
    %dma_start3A_207 = tpu.memref_slice %arg4[%arg1, %dma_start3A_204, %dma_start3A_205, %dma_start3A_206] : memref<16x2x2x8064xi32, #tpu.memory_space<vmem_shared>> -> memref<1x1x2x8064xi32, #tpu.memory_space<vmem_shared>>
    %dma_start3A_208 = tpu.memref_squeeze %dma_start3A_207 : memref<1x1x2x8064xi32, #tpu.memory_space<vmem_shared>> -> memref<2x8064xi32, #tpu.memory_space<vmem_shared>>
    %dma_start3A_209 = arith.constant 0 : i32
    %dma_start3A_210 = tpu.memref_slice %arg2[%dma_start3A_209, %add3A_203] : memref<2x4294967xi32, #tpu.memory_space<hbm>> -> memref<2x8064xi32, #tpu.memory_space<hbm>>
    tpu.enqueue_dma source(%dma_start3A_210 : memref<2x8064xi32, #tpu.memory_space<hbm>>) target(%dma_start3A_208 : memref<2x8064xi32, #tpu.memory_space<vmem_shared>>) target_semaphore(%arg6 : memref<!tpu.dma_semaphore, #tpu.memory_space<semaphore_mem>>)
    %dma_wait3A_211 = arith.constant 0 : i32
    %dma_wait3A_212 = arith.constant 0 : i32
    %dma_wait3A_213 = arith.constant 0 : i32
    %dma_wait3A_214 = tpu.memref_slice %arg4[%arg1, %dma_wait3A_211, %dma_wait3A_212, %dma_wait3A_213] : memref<16x2x2x8064xi32, #tpu.memory_space<vmem_shared>> -> memref<1x1x2x8064xi32, #tpu.memory_space<vmem_shared>>
    %dma_wait3A_215 = tpu.memref_squeeze %dma_wait3A_214 : memref<1x1x2x8064xi32, #tpu.memory_space<vmem_shared>> -> memref<2x8064xi32, #tpu.memory_space<vmem_shared>>
    %dma_wait3A_216 = arith.constant 0 : i32
    %dma_wait3A_217 = tpu.memref_slice %arg2[%dma_wait3A_216, %add3A_171] : memref<2x4294967xi32, #tpu.memory_space<hbm>> -> memref<2x8064xi32, #tpu.memory_space<hbm>>
    tpu.wait_dma2 semaphore(%arg5 : memref<!tpu.dma_semaphore, #tpu.memory_space<semaphore_mem>>) src(%dma_wait3A_217 : memref<2x8064xi32, #tpu.memory_space<hbm>>) dst(%dma_wait3A_215 : memref<2x8064xi32, #tpu.memory_space<vmem_shared>>)
    %add3A_218 = arith.constant 48384 : i32
    %add3A_219 = arith.addi %mul3A_2, %add3A_218 : i32
    %dma_start3A_220 = arith.constant 0 : i32
    %dma_start3A_221 = arith.constant 0 : i32
    %dma_start3A_222 = tpu.memref_slice %arg3[%dma_start3A_221, %add3A_219] : memref<2x4294967xi32, #tpu.memory_space<hbm>> -> memref<2x8064xi32, #tpu.memory_space<hbm>>
    %dma_start3A_223 = arith.constant 0 : i32
    %dma_start3A_224 = arith.constant 0 : i32
    %dma_start3A_225 = tpu.memref_slice %arg4[%arg1, %dma_start3A_220, %dma_start3A_223, %dma_start3A_224] : memref<16x2x2x8064xi32, #tpu.memory_space<vmem_shared>> -> memref<1x1x2x8064xi32, #tpu.memory_space<vmem_shared>>
    %dma_start3A_226 = tpu.memref_squeeze %dma_start3A_225 : memref<1x1x2x8064xi32, #tpu.memory_space<vmem_shared>> -> memref<2x8064xi32, #tpu.memory_space<vmem_shared>>
    tpu.enqueue_dma source(%dma_start3A_226 : memref<2x8064xi32, #tpu.memory_space<vmem_shared>>) target(%dma_start3A_222 : memref<2x8064xi32, #tpu.memory_space<hbm>>) target_semaphore(%arg7 : memref<!tpu.dma_semaphore, #tpu.memory_space<semaphore_mem>>)
    %dma_wait3A_227 = arith.constant 0 : i32
    %dma_wait3A_228 = arith.constant 0 : i32
    %dma_wait3A_229 = tpu.memref_slice %arg3[%dma_wait3A_228, %add3A_219] : memref<2x4294967xi32, #tpu.memory_space<hbm>> -> memref<2x8064xi32, #tpu.memory_space<hbm>>
    %dma_wait3A_230 = arith.constant 0 : i32
    %dma_wait3A_231 = arith.constant 0 : i32
    %dma_wait3A_232 = tpu.memref_slice %arg4[%arg1, %dma_wait3A_227, %dma_wait3A_230, %dma_wait3A_231] : memref<16x2x2x8064xi32, #tpu.memory_space<vmem_shared>> -> memref<1x1x2x8064xi32, #tpu.memory_space<vmem_shared>>
    %dma_wait3A_233 = tpu.memref_squeeze %dma_wait3A_232 : memref<1x1x2x8064xi32, #tpu.memory_space<vmem_shared>> -> memref<2x8064xi32, #tpu.memory_space<vmem_shared>>
    tpu.wait_dma2 semaphore(%arg7 : memref<!tpu.dma_semaphore, #tpu.memory_space<semaphore_mem>>) src(%dma_wait3A_233 : memref<2x8064xi32, #tpu.memory_space<vmem_shared>>) dst(%dma_wait3A_229 : memref<2x8064xi32, #tpu.memory_space<hbm>>)
    %add3A_234 = arith.constant 64512 : i32
    %add3A_235 = arith.addi %mul3A_2, %add3A_234 : i32
    %dma_start3A_236 = arith.constant 0 : i32
    %dma_start3A_237 = arith.constant 0 : i32
    %dma_start3A_238 = arith.constant 0 : i32
    %dma_start3A_239 = tpu.memref_slice %arg4[%arg1, %dma_start3A_236, %dma_start3A_237, %dma_start3A_238] : memref<16x2x2x8064xi32, #tpu.memory_space<vmem_shared>> -> memref<1x1x2x8064xi32, #tpu.memory_space<vmem_shared>>
    %dma_start3A_240 = tpu.memref_squeeze %dma_start3A_239 : memref<1x1x2x8064xi32, #tpu.memory_space<vmem_shared>> -> memref<2x8064xi32, #tpu.memory_space<vmem_shared>>
    %dma_start3A_241 = arith.constant 0 : i32
    %dma_start3A_242 = tpu.memref_slice %arg2[%dma_start3A_241, %add3A_235] : memref<2x4294967xi32, #tpu.memory_space<hbm>> -> memref<2x8064xi32, #tpu.memory_space<hbm>>
    tpu.enqueue_dma source(%dma_start3A_242 : memref<2x8064xi32, #tpu.memory_space<hbm>>) target(%dma_start3A_240 : memref<2x8064xi32, #tpu.memory_space<vmem_shared>>) target_semaphore(%arg5 : memref<!tpu.dma_semaphore, #tpu.memory_space<semaphore_mem>>)
    %dma_wait3A_243 = arith.constant 1 : i32
    %dma_wait3A_244 = arith.constant 0 : i32
    %dma_wait3A_245 = arith.constant 0 : i32
    %dma_wait3A_246 = tpu.memref_slice %arg4[%arg1, %dma_wait3A_243, %dma_wait3A_244, %dma_wait3A_245] : memref<16x2x2x8064xi32, #tpu.memory_space<vmem_shared>> -> memref<1x1x2x8064xi32, #tpu.memory_space<vmem_shared>>
    %dma_wait3A_247 = tpu.memref_squeeze %dma_wait3A_246 : memref<1x1x2x8064xi32, #tpu.memory_space<vmem_shared>> -> memref<2x8064xi32, #tpu.memory_space<vmem_shared>>
    %dma_wait3A_248 = arith.constant 0 : i32
    %dma_wait3A_249 = tpu.memref_slice %arg2[%dma_wait3A_248, %add3A_203] : memref<2x4294967xi32, #tpu.memory_space<hbm>> -> memref<2x8064xi32, #tpu.memory_space<hbm>>
    tpu.wait_dma2 semaphore(%arg6 : memref<!tpu.dma_semaphore, #tpu.memory_space<semaphore_mem>>) src(%dma_wait3A_249 : memref<2x8064xi32, #tpu.memory_space<hbm>>) dst(%dma_wait3A_247 : memref<2x8064xi32, #tpu.memory_space<vmem_shared>>)
    %add3A_250 = arith.constant 56448 : i32
    %add3A_251 = arith.addi %mul3A_2, %add3A_250 : i32
    %dma_start3A_252 = arith.constant 1 : i32
    %dma_start3A_253 = arith.constant 0 : i32
    %dma_start3A_254 = tpu.memref_slice %arg3[%dma_start3A_253, %add3A_251] : memref<2x4294967xi32, #tpu.memory_space<hbm>> -> memref<2x8064xi32, #tpu.memory_space<hbm>>
    %dma_start3A_255 = arith.constant 0 : i32
    %dma_start3A_256 = arith.constant 0 : i32
    %dma_start3A_257 = tpu.memref_slice %arg4[%arg1, %dma_start3A_252, %dma_start3A_255, %dma_start3A_256] : memref<16x2x2x8064xi32, #tpu.memory_space<vmem_shared>> -> memref<1x1x2x8064xi32, #tpu.memory_space<vmem_shared>>
    %dma_start3A_258 = tpu.memref_squeeze %dma_start3A_257 : memref<1x1x2x8064xi32, #tpu.memory_space<vmem_shared>> -> memref<2x8064xi32, #tpu.memory_space<vmem_shared>>
    tpu.enqueue_dma source(%dma_start3A_258 : memref<2x8064xi32, #tpu.memory_space<vmem_shared>>) target(%dma_start3A_254 : memref<2x8064xi32, #tpu.memory_space<hbm>>) target_semaphore(%arg8 : memref<!tpu.dma_semaphore, #tpu.memory_space<semaphore_mem>>)
    %dma_wait3A_259 = arith.constant 1 : i32
    %dma_wait3A_260 = arith.constant 0 : i32
    %dma_wait3A_261 = tpu.memref_slice %arg3[%dma_wait3A_260, %add3A_251] : memref<2x4294967xi32, #tpu.memory_space<hbm>> -> memref<2x8064xi32, #tpu.memory_space<hbm>>
    %dma_wait3A_262 = arith.constant 0 : i32
    %dma_wait3A_263 = arith.constant 0 : i32
    %dma_wait3A_264 = tpu.memref_slice %arg4[%arg1, %dma_wait3A_259, %dma_wait3A_262, %dma_wait3A_263] : memref<16x2x2x8064xi32, #tpu.memory_space<vmem_shared>> -> memref<1x1x2x8064xi32, #tpu.memory_space<vmem_shared>>
    %dma_wait3A_265 = tpu.memref_squeeze %dma_wait3A_264 : memref<1x1x2x8064xi32, #tpu.memory_space<vmem_shared>> -> memref<2x8064xi32, #tpu.memory_space<vmem_shared>>
    tpu.wait_dma2 semaphore(%arg8 : memref<!tpu.dma_semaphore, #tpu.memory_space<semaphore_mem>>) src(%dma_wait3A_265 : memref<2x8064xi32, #tpu.memory_space<vmem_shared>>) dst(%dma_wait3A_261 : memref<2x8064xi32, #tpu.memory_space<hbm>>)
    %add3A_266 = arith.constant 72576 : i32
    %add3A_267 = arith.addi %mul3A_2, %add3A_266 : i32
    %dma_start3A_268 = arith.constant 1 : i32
    %dma_start3A_269 = arith.constant 0 : i32
    %dma_start3A_270 = arith.constant 0 : i32
    %dma_start3A_271 = tpu.memref_slice %arg4[%arg1, %dma_start3A_268, %dma_start3A_269, %dma_start3A_270] : memref<16x2x2x8064xi32, #tpu.memory_space<vmem_shared>> -> memref<1x1x2x8064xi32, #tpu.memory_space<vmem_shared>>
    %dma_start3A_272 = tpu.memref_squeeze %dma_start3A_271 : memref<1x1x2x8064xi32, #tpu.memory_space<vmem_shared>> -> memref<2x8064xi32, #tpu.memory_space<vmem_shared>>
    %dma_start3A_273 = arith.constant 0 : i32
    %dma_start3A_274 = tpu.memref_slice %arg2[%dma_start3A_273, %add3A_267] : memref<2x4294967xi32, #tpu.memory_space<hbm>> -> memref<2x8064xi32, #tpu.memory_space<hbm>>
    tpu.enqueue_dma source(%dma_start3A_274 : memref<2x8064xi32, #tpu.memory_space<hbm>>) target(%dma_start3A_272 : memref<2x8064xi32, #tpu.memory_space<vmem_shared>>) target_semaphore(%arg6 : memref<!tpu.dma_semaphore, #tpu.memory_space<semaphore_mem>>)
    %dma_wait3A_275 = arith.constant 0 : i32
    %dma_wait3A_276 = arith.constant 0 : i32
    %dma_wait3A_277 = arith.constant 0 : i32
    %dma_wait3A_278 = tpu.memref_slice %arg4[%arg1, %dma_wait3A_275, %dma_wait3A_276, %dma_wait3A_277] : memref<16x2x2x8064xi32, #tpu.memory_space<vmem_shared>> -> memref<1x1x2x8064xi32, #tpu.memory_space<vmem_shared>>
    %dma_wait3A_279 = tpu.memref_squeeze %dma_wait3A_278 : memref<1x1x2x8064xi32, #tpu.memory_space<vmem_shared>> -> memref<2x8064xi32, #tpu.memory_space<vmem_shared>>
    %dma_wait3A_280 = arith.constant 0 : i32
    %dma_wait3A_281 = tpu.memref_slice %arg2[%dma_wait3A_280, %add3A_235] : memref<2x4294967xi32, #tpu.memory_space<hbm>> -> memref<2x8064xi32, #tpu.memory_space<hbm>>
    tpu.wait_dma2 semaphore(%arg5 : memref<!tpu.dma_semaphore, #tpu.memory_space<semaphore_mem>>) src(%dma_wait3A_281 : memref<2x8064xi32, #tpu.memory_space<hbm>>) dst(%dma_wait3A_279 : memref<2x8064xi32, #tpu.memory_space<vmem_shared>>)
    %add3A_282 = arith.constant 64512 : i32
    %add3A_283 = arith.addi %mul3A_2, %add3A_282 : i32
    %dma_start3A_284 = arith.constant 0 : i32
    %dma_start3A_285 = arith.constant 0 : i32
    %dma_start3A_286 = tpu.memref_slice %arg3[%dma_start3A_285, %add3A_283] : memref<2x4294967xi32, #tpu.memory_space<hbm>> -> memref<2x8064xi32, #tpu.memory_space<hbm>>
    %dma_start3A_287 = arith.constant 0 : i32
    %dma_start3A_288 = arith.constant 0 : i32
    %dma_start3A_289 = tpu.memref_slice %arg4[%arg1, %dma_start3A_284, %dma_start3A_287, %dma_start3A_288] : memref<16x2x2x8064xi32, #tpu.memory_space<vmem_shared>> -> memref<1x1x2x8064xi32, #tpu.memory_space<vmem_shared>>
    %dma_start3A_290 = tpu.memref_squeeze %dma_start3A_289 : memref<1x1x2x8064xi32, #tpu.memory_space<vmem_shared>> -> memref<2x8064xi32, #tpu.memory_space<vmem_shared>>
    tpu.enqueue_dma source(%dma_start3A_290 : memref<2x8064xi32, #tpu.memory_space<vmem_shared>>) target(%dma_start3A_286 : memref<2x8064xi32, #tpu.memory_space<hbm>>) target_semaphore(%arg7 : memref<!tpu.dma_semaphore, #tpu.memory_space<semaphore_mem>>)
    %dma_wait3A_291 = arith.constant 0 : i32
    %dma_wait3A_292 = arith.constant 0 : i32
    %dma_wait3A_293 = tpu.memref_slice %arg3[%dma_wait3A_292, %add3A_283] : memref<2x4294967xi32, #tpu.memory_space<hbm>> -> memref<2x8064xi32, #tpu.memory_space<hbm>>
    %dma_wait3A_294 = arith.constant 0 : i32
    %dma_wait3A_295 = arith.constant 0 : i32
    %dma_wait3A_296 = tpu.memref_slice %arg4[%arg1, %dma_wait3A_291, %dma_wait3A_294, %dma_wait3A_295] : memref<16x2x2x8064xi32, #tpu.memory_space<vmem_shared>> -> memref<1x1x2x8064xi32, #tpu.memory_space<vmem_shared>>
    %dma_wait3A_297 = tpu.memref_squeeze %dma_wait3A_296 : memref<1x1x2x8064xi32, #tpu.memory_space<vmem_shared>> -> memref<2x8064xi32, #tpu.memory_space<vmem_shared>>
    tpu.wait_dma2 semaphore(%arg7 : memref<!tpu.dma_semaphore, #tpu.memory_space<semaphore_mem>>) src(%dma_wait3A_297 : memref<2x8064xi32, #tpu.memory_space<vmem_shared>>) dst(%dma_wait3A_293 : memref<2x8064xi32, #tpu.memory_space<hbm>>)
    %add3A_298 = arith.constant 80640 : i32
    %add3A_299 = arith.addi %mul3A_2, %add3A_298 : i32
    %dma_start3A_300 = arith.constant 0 : i32
    %dma_start3A_301 = arith.constant 0 : i32
    %dma_start3A_302 = arith.constant 0 : i32
    %dma_start3A_303 = tpu.memref_slice %arg4[%arg1, %dma_start3A_300, %dma_start3A_301, %dma_start3A_302] : memref<16x2x2x8064xi32, #tpu.memory_space<vmem_shared>> -> memref<1x1x2x8064xi32, #tpu.memory_space<vmem_shared>>
    %dma_start3A_304 = tpu.memref_squeeze %dma_start3A_303 : memref<1x1x2x8064xi32, #tpu.memory_space<vmem_shared>> -> memref<2x8064xi32, #tpu.memory_space<vmem_shared>>
    %dma_start3A_305 = arith.constant 0 : i32
    %dma_start3A_306 = tpu.memref_slice %arg2[%dma_start3A_305, %add3A_299] : memref<2x4294967xi32, #tpu.memory_space<hbm>> -> memref<2x8064xi32, #tpu.memory_space<hbm>>
    tpu.enqueue_dma source(%dma_start3A_306 : memref<2x8064xi32, #tpu.memory_space<hbm>>) target(%dma_start3A_304 : memref<2x8064xi32, #tpu.memory_space<vmem_shared>>) target_semaphore(%arg5 : memref<!tpu.dma_semaphore, #tpu.memory_space<semaphore_mem>>)
    %dma_wait3A_307 = arith.constant 1 : i32
    %dma_wait3A_308 = arith.constant 0 : i32
    %dma_wait3A_309 = arith.constant 0 : i32
    %dma_wait3A_310 = tpu.memref_slice %arg4[%arg1, %dma_wait3A_307, %dma_wait3A_308, %dma_wait3A_309] : memref<16x2x2x8064xi32, #tpu.memory_space<vmem_shared>> -> memref<1x1x2x8064xi32, #tpu.memory_space<vmem_shared>>
    %dma_wait3A_311 = tpu.memref_squeeze %dma_wait3A_310 : memref<1x1x2x8064xi32, #tpu.memory_space<vmem_shared>> -> memref<2x8064xi32, #tpu.memory_space<vmem_shared>>
    %dma_wait3A_312 = arith.constant 0 : i32
    %dma_wait3A_313 = tpu.memref_slice %arg2[%dma_wait3A_312, %add3A_267] : memref<2x4294967xi32, #tpu.memory_space<hbm>> -> memref<2x8064xi32, #tpu.memory_space<hbm>>
    tpu.wait_dma2 semaphore(%arg6 : memref<!tpu.dma_semaphore, #tpu.memory_space<semaphore_mem>>) src(%dma_wait3A_313 : memref<2x8064xi32, #tpu.memory_space<hbm>>) dst(%dma_wait3A_311 : memref<2x8064xi32, #tpu.memory_space<vmem_shared>>)
    %add3A_314 = arith.constant 72576 : i32
    %add3A_315 = arith.addi %mul3A_2, %add3A_314 : i32
    %dma_start3A_316 = arith.constant 1 : i32
    %dma_start3A_317 = arith.constant 0 : i32
    %dma_start3A_318 = tpu.memref_slice %arg3[%dma_start3A_317, %add3A_315] : memref<2x4294967xi32, #tpu.memory_space<hbm>> -> memref<2x8064xi32, #tpu.memory_space<hbm>>
    %dma_start3A_319 = arith.constant 0 : i32
    %dma_start3A_320 = arith.constant 0 : i32
    %dma_start3A_321 = tpu.memref_slice %arg4[%arg1, %dma_start3A_316, %dma_start3A_319, %dma_start3A_320] : memref<16x2x2x8064xi32, #tpu.memory_space<vmem_shared>> -> memref<1x1x2x8064xi32, #tpu.memory_space<vmem_shared>>
    %dma_start3A_322 = tpu.memref_squeeze %dma_start3A_321 : memref<1x1x2x8064xi32, #tpu.memory_space<vmem_shared>> -> memref<2x8064xi32, #tpu.memory_space<vmem_shared>>
    tpu.enqueue_dma source(%dma_start3A_322 : memref<2x8064xi32, #tpu.memory_space<vmem_shared>>) target(%dma_start3A_318 : memref<2x8064xi32, #tpu.memory_space<hbm>>) target_semaphore(%arg8 : memref<!tpu.dma_semaphore, #tpu.memory_space<semaphore_mem>>)
    %dma_wait3A_323 = arith.constant 1 : i32
    %dma_wait3A_324 = arith.constant 0 : i32
    %dma_wait3A_325 = tpu.memref_slice %arg3[%dma_wait3A_324, %add3A_315] : memref<2x4294967xi32, #tpu.memory_space<hbm>> -> memref<2x8064xi32, #tpu.memory_space<hbm>>
    %dma_wait3A_326 = arith.constant 0 : i32
    %dma_wait3A_327 = arith.constant 0 : i32
    %dma_wait3A_328 = tpu.memref_slice %arg4[%arg1, %dma_wait3A_323, %dma_wait3A_326, %dma_wait3A_327] : memref<16x2x2x8064xi32, #tpu.memory_space<vmem_shared>> -> memref<1x1x2x8064xi32, #tpu.memory_space<vmem_shared>>
    %dma_wait3A_329 = tpu.memref_squeeze %dma_wait3A_328 : memref<1x1x2x8064xi32, #tpu.memory_space<vmem_shared>> -> memref<2x8064xi32, #tpu.memory_space<vmem_shared>>
    tpu.wait_dma2 semaphore(%arg8 : memref<!tpu.dma_semaphore, #tpu.memory_space<semaphore_mem>>) src(%dma_wait3A_329 : memref<2x8064xi32, #tpu.memory_space<vmem_shared>>) dst(%dma_wait3A_325 : memref<2x8064xi32, #tpu.memory_space<hbm>>)
    %add3A_330 = arith.constant 88704 : i32
    %add3A_331 = arith.addi %mul3A_2, %add3A_330 : i32
    %dma_start3A_332 = arith.constant 1 : i32
    %dma_start3A_333 = arith.constant 0 : i32
    %dma_start3A_334 = arith.constant 0 : i32
    %dma_start3A_335 = tpu.memref_slice %arg4[%arg1, %dma_start3A_332, %dma_start3A_333, %dma_start3A_334] : memref<16x2x2x8064xi32, #tpu.memory_space<vmem_shared>> -> memref<1x1x2x8064xi32, #tpu.memory_space<vmem_shared>>
    %dma_start3A_336 = tpu.memref_squeeze %dma_start3A_335 : memref<1x1x2x8064xi32, #tpu.memory_space<vmem_shared>> -> memref<2x8064xi32, #tpu.memory_space<vmem_shared>>
    %dma_start3A_337 = arith.constant 0 : i32
    %dma_start3A_338 = tpu.memref_slice %arg2[%dma_start3A_337, %add3A_331] : memref<2x4294967xi32, #tpu.memory_space<hbm>> -> memref<2x8064xi32, #tpu.memory_space<hbm>>
    tpu.enqueue_dma source(%dma_start3A_338 : memref<2x8064xi32, #tpu.memory_space<hbm>>) target(%dma_start3A_336 : memref<2x8064xi32, #tpu.memory_space<vmem_shared>>) target_semaphore(%arg6 : memref<!tpu.dma_semaphore, #tpu.memory_space<semaphore_mem>>)
    %dma_wait3A_339 = arith.constant 0 : i32
    %dma_wait3A_340 = arith.constant 0 : i32
    %dma_wait3A_341 = arith.constant 0 : i32
    %dma_wait3A_342 = tpu.memref_slice %arg4[%arg1, %dma_wait3A_339, %dma_wait3A_340, %dma_wait3A_341] : memref<16x2x2x8064xi32, #tpu.memory_space<vmem_shared>> -> memref<1x1x2x8064xi32, #tpu.memory_space<vmem_shared>>
    %dma_wait3A_343 = tpu.memref_squeeze %dma_wait3A_342 : memref<1x1x2x8064xi32, #tpu.memory_space<vmem_shared>> -> memref<2x8064xi32, #tpu.memory_space<vmem_shared>>
    %dma_wait3A_344 = arith.constant 0 : i32
    %dma_wait3A_345 = tpu.memref_slice %arg2[%dma_wait3A_344, %add3A_299] : memref<2x4294967xi32, #tpu.memory_space<hbm>> -> memref<2x8064xi32, #tpu.memory_space<hbm>>
    tpu.wait_dma2 semaphore(%arg5 : memref<!tpu.dma_semaphore, #tpu.memory_space<semaphore_mem>>) src(%dma_wait3A_345 : memref<2x8064xi32, #tpu.memory_space<hbm>>) dst(%dma_wait3A_343 : memref<2x8064xi32, #tpu.memory_space<vmem_shared>>)
    %add3A_346 = arith.constant 80640 : i32
    %add3A_347 = arith.addi %mul3A_2, %add3A_346 : i32
    %dma_start3A_348 = arith.constant 0 : i32
    %dma_start3A_349 = arith.constant 0 : i32
    %dma_start3A_350 = tpu.memref_slice %arg3[%dma_start3A_349, %add3A_347] : memref<2x4294967xi32, #tpu.memory_space<hbm>> -> memref<2x8064xi32, #tpu.memory_space<hbm>>
    %dma_start3A_351 = arith.constant 0 : i32
    %dma_start3A_352 = arith.constant 0 : i32
    %dma_start3A_353 = tpu.memref_slice %arg4[%arg1, %dma_start3A_348, %dma_start3A_351, %dma_start3A_352] : memref<16x2x2x8064xi32, #tpu.memory_space<vmem_shared>> -> memref<1x1x2x8064xi32, #tpu.memory_space<vmem_shared>>
    %dma_start3A_354 = tpu.memref_squeeze %dma_start3A_353 : memref<1x1x2x8064xi32, #tpu.memory_space<vmem_shared>> -> memref<2x8064xi32, #tpu.memory_space<vmem_shared>>
    tpu.enqueue_dma source(%dma_start3A_354 : memref<2x8064xi32, #tpu.memory_space<vmem_shared>>) target(%dma_start3A_350 : memref<2x8064xi32, #tpu.memory_space<hbm>>) target_semaphore(%arg7 : memref<!tpu.dma_semaphore, #tpu.memory_space<semaphore_mem>>)
    %dma_wait3A_355 = arith.constant 0 : i32
    %dma_wait3A_356 = arith.constant 0 : i32
    %dma_wait3A_357 = tpu.memref_slice %arg3[%dma_wait3A_356, %add3A_347] : memref<2x4294967xi32, #tpu.memory_space<hbm>> -> memref<2x8064xi32, #tpu.memory_space<hbm>>
    %dma_wait3A_358 = arith.constant 0 : i32
    %dma_wait3A_359 = arith.constant 0 : i32
    %dma_wait3A_360 = tpu.memref_slice %arg4[%arg1, %dma_wait3A_355, %dma_wait3A_358, %dma_wait3A_359] : memref<16x2x2x8064xi32, #tpu.memory_space<vmem_shared>> -> memref<1x1x2x8064xi32, #tpu.memory_space<vmem_shared>>
    %dma_wait3A_361 = tpu.memref_squeeze %dma_wait3A_360 : memref<1x1x2x8064xi32, #tpu.memory_space<vmem_shared>> -> memref<2x8064xi32, #tpu.memory_space<vmem_shared>>
    tpu.wait_dma2 semaphore(%arg7 : memref<!tpu.dma_semaphore, #tpu.memory_space<semaphore_mem>>) src(%dma_wait3A_361 : memref<2x8064xi32, #tpu.memory_space<vmem_shared>>) dst(%dma_wait3A_357 : memref<2x8064xi32, #tpu.memory_space<hbm>>)
    %add3A_362 = arith.constant 96768 : i32
    %add3A_363 = arith.addi %mul3A_2, %add3A_362 : i32
    %dma_start3A_364 = arith.constant 0 : i32
    %dma_start3A_365 = arith.constant 0 : i32
    %dma_start3A_366 = arith.constant 0 : i32
    %dma_start3A_367 = tpu.memref_slice %arg4[%arg1, %dma_start3A_364, %dma_start3A_365, %dma_start3A_366] : memref<16x2x2x8064xi32, #tpu.memory_space<vmem_shared>> -> memref<1x1x2x8064xi32, #tpu.memory_space<vmem_shared>>
    %dma_start3A_368 = tpu.memref_squeeze %dma_start3A_367 : memref<1x1x2x8064xi32, #tpu.memory_space<vmem_shared>> -> memref<2x8064xi32, #tpu.memory_space<vmem_shared>>
    %dma_start3A_369 = arith.constant 0 : i32
    %dma_start3A_370 = tpu.memref_slice %arg2[%dma_start3A_369, %add3A_363] : memref<2x4294967xi32, #tpu.memory_space<hbm>> -> memref<2x8064xi32, #tpu.memory_space<hbm>>
    tpu.enqueue_dma source(%dma_start3A_370 : memref<2x8064xi32, #tpu.memory_space<hbm>>) target(%dma_start3A_368 : memref<2x8064xi32, #tpu.memory_space<vmem_shared>>) target_semaphore(%arg5 : memref<!tpu.dma_semaphore, #tpu.memory_space<semaphore_mem>>)
    %dma_wait3A_371 = arith.constant 1 : i32
    %dma_wait3A_372 = arith.constant 0 : i32
    %dma_wait3A_373 = arith.constant 0 : i32
    %dma_wait3A_374 = tpu.memref_slice %arg4[%arg1, %dma_wait3A_371, %dma_wait3A_372, %dma_wait3A_373] : memref<16x2x2x8064xi32, #tpu.memory_space<vmem_shared>> -> memref<1x1x2x8064xi32, #tpu.memory_space<vmem_shared>>
    %dma_wait3A_375 = tpu.memref_squeeze %dma_wait3A_374 : memref<1x1x2x8064xi32, #tpu.memory_space<vmem_shared>> -> memref<2x8064xi32, #tpu.memory_space<vmem_shared>>
    %dma_wait3A_376 = arith.constant 0 : i32
    %dma_wait3A_377 = tpu.memref_slice %arg2[%dma_wait3A_376, %add3A_331] : memref<2x4294967xi32, #tpu.memory_space<hbm>> -> memref<2x8064xi32, #tpu.memory_space<hbm>>
    tpu.wait_dma2 semaphore(%arg6 : memref<!tpu.dma_semaphore, #tpu.memory_space<semaphore_mem>>) src(%dma_wait3A_377 : memref<2x8064xi32, #tpu.memory_space<hbm>>) dst(%dma_wait3A_375 : memref<2x8064xi32, #tpu.memory_space<vmem_shared>>)
    %add3A_378 = arith.constant 88704 : i32
    %add3A_379 = arith.addi %mul3A_2, %add3A_378 : i32
    %dma_start3A_380 = arith.constant 1 : i32
    %dma_start3A_381 = arith.constant 0 : i32
    %dma_start3A_382 = tpu.memref_slice %arg3[%dma_start3A_381, %add3A_379] : memref<2x4294967xi32, #tpu.memory_space<hbm>> -> memref<2x8064xi32, #tpu.memory_space<hbm>>
    %dma_start3A_383 = arith.constant 0 : i32
    %dma_start3A_384 = arith.constant 0 : i32
    %dma_start3A_385 = tpu.memref_slice %arg4[%arg1, %dma_start3A_380, %dma_start3A_383, %dma_start3A_384] : memref<16x2x2x8064xi32, #tpu.memory_space<vmem_shared>> -> memref<1x1x2x8064xi32, #tpu.memory_space<vmem_shared>>
    %dma_start3A_386 = tpu.memref_squeeze %dma_start3A_385 : memref<1x1x2x8064xi32, #tpu.memory_space<vmem_shared>> -> memref<2x8064xi32, #tpu.memory_space<vmem_shared>>
    tpu.enqueue_dma source(%dma_start3A_386 : memref<2x8064xi32, #tpu.memory_space<vmem_shared>>) target(%dma_start3A_382 : memref<2x8064xi32, #tpu.memory_space<hbm>>) target_semaphore(%arg8 : memref<!tpu.dma_semaphore, #tpu.memory_space<semaphore_mem>>)
    %dma_wait3A_387 = arith.constant 1 : i32
    %dma_wait3A_388 = arith.constant 0 : i32
    %dma_wait3A_389 = tpu.memref_slice %arg3[%dma_wait3A_388, %add3A_379] : memref<2x4294967xi32, #tpu.memory_space<hbm>> -> memref<2x8064xi32, #tpu.memory_space<hbm>>
    %dma_wait3A_390 = arith.constant 0 : i32
    %dma_wait3A_391 = arith.constant 0 : i32
    %dma_wait3A_392 = tpu.memref_slice %arg4[%arg1, %dma_wait3A_387, %dma_wait3A_390, %dma_wait3A_391] : memref<16x2x2x8064xi32, #tpu.memory_space<vmem_shared>> -> memref<1x1x2x8064xi32, #tpu.memory_space<vmem_shared>>
    %dma_wait3A_393 = tpu.memref_squeeze %dma_wait3A_392 : memref<1x1x2x8064xi32, #tpu.memory_space<vmem_shared>> -> memref<2x8064xi32, #tpu.memory_space<vmem_shared>>
    tpu.wait_dma2 semaphore(%arg8 : memref<!tpu.dma_semaphore, #tpu.memory_space<semaphore_mem>>) src(%dma_wait3A_393 : memref<2x8064xi32, #tpu.memory_space<vmem_shared>>) dst(%dma_wait3A_389 : memref<2x8064xi32, #tpu.memory_space<hbm>>)
    %add3A_394 = arith.constant 104832 : i32
    %add3A_395 = arith.addi %mul3A_2, %add3A_394 : i32
    %dma_start3A_396 = arith.constant 1 : i32
    %dma_start3A_397 = arith.constant 0 : i32
    %dma_start3A_398 = arith.constant 0 : i32
    %dma_start3A_399 = tpu.memref_slice %arg4[%arg1, %dma_start3A_396, %dma_start3A_397, %dma_start3A_398] : memref<16x2x2x8064xi32, #tpu.memory_space<vmem_shared>> -> memref<1x1x2x8064xi32, #tpu.memory_space<vmem_shared>>
    %dma_start3A_400 = tpu.memref_squeeze %dma_start3A_399 : memref<1x1x2x8064xi32, #tpu.memory_space<vmem_shared>> -> memref<2x8064xi32, #tpu.memory_space<vmem_shared>>
    %dma_start3A_401 = arith.constant 0 : i32
    %dma_start3A_402 = tpu.memref_slice %arg2[%dma_start3A_401, %add3A_395] : memref<2x4294967xi32, #tpu.memory_space<hbm>> -> memref<2x8064xi32, #tpu.memory_space<hbm>>
    tpu.enqueue_dma source(%dma_start3A_402 : memref<2x8064xi32, #tpu.memory_space<hbm>>) target(%dma_start3A_400 : memref<2x8064xi32, #tpu.memory_space<vmem_shared>>) target_semaphore(%arg6 : memref<!tpu.dma_semaphore, #tpu.memory_space<semaphore_mem>>)
    %dma_wait3A_403 = arith.constant 0 : i32
    %dma_wait3A_404 = arith.constant 0 : i32
    %dma_wait3A_405 = arith.constant 0 : i32
    %dma_wait3A_406 = tpu.memref_slice %arg4[%arg1, %dma_wait3A_403, %dma_wait3A_404, %dma_wait3A_405] : memref<16x2x2x8064xi32, #tpu.memory_space<vmem_shared>> -> memref<1x1x2x8064xi32, #tpu.memory_space<vmem_shared>>
    %dma_wait3A_407 = tpu.memref_squeeze %dma_wait3A_406 : memref<1x1x2x8064xi32, #tpu.memory_space<vmem_shared>> -> memref<2x8064xi32, #tpu.memory_space<vmem_shared>>
    %dma_wait3A_408 = arith.constant 0 : i32
    %dma_wait3A_409 = tpu.memref_slice %arg2[%dma_wait3A_408, %add3A_363] : memref<2x4294967xi32, #tpu.memory_space<hbm>> -> memref<2x8064xi32, #tpu.memory_space<hbm>>
    tpu.wait_dma2 semaphore(%arg5 : memref<!tpu.dma_semaphore, #tpu.memory_space<semaphore_mem>>) src(%dma_wait3A_409 : memref<2x8064xi32, #tpu.memory_space<hbm>>) dst(%dma_wait3A_407 : memref<2x8064xi32, #tpu.memory_space<vmem_shared>>)
    %add3A_410 = arith.constant 96768 : i32
    %add3A_411 = arith.addi %mul3A_2, %add3A_410 : i32
    %dma_start3A_412 = arith.constant 0 : i32
    %dma_start3A_413 = arith.constant 0 : i32
    %dma_start3A_414 = tpu.memref_slice %arg3[%dma_start3A_413, %add3A_411] : memref<2x4294967xi32, #tpu.memory_space<hbm>> -> memref<2x8064xi32, #tpu.memory_space<hbm>>
    %dma_start3A_415 = arith.constant 0 : i32
    %dma_start3A_416 = arith.constant 0 : i32
    %dma_start3A_417 = tpu.memref_slice %arg4[%arg1, %dma_start3A_412, %dma_start3A_415, %dma_start3A_416] : memref<16x2x2x8064xi32, #tpu.memory_space<vmem_shared>> -> memref<1x1x2x8064xi32, #tpu.memory_space<vmem_shared>>
    %dma_start3A_418 = tpu.memref_squeeze %dma_start3A_417 : memref<1x1x2x8064xi32, #tpu.memory_space<vmem_shared>> -> memref<2x8064xi32, #tpu.memory_space<vmem_shared>>
    tpu.enqueue_dma source(%dma_start3A_418 : memref<2x8064xi32, #tpu.memory_space<vmem_shared>>) target(%dma_start3A_414 : memref<2x8064xi32, #tpu.memory_space<hbm>>) target_semaphore(%arg7 : memref<!tpu.dma_semaphore, #tpu.memory_space<semaphore_mem>>)
    %dma_wait3A_419 = arith.constant 0 : i32
    %dma_wait3A_420 = arith.constant 0 : i32
    %dma_wait3A_421 = tpu.memref_slice %arg3[%dma_wait3A_420, %add3A_411] : memref<2x4294967xi32, #tpu.memory_space<hbm>> -> memref<2x8064xi32, #tpu.memory_space<hbm>>
    %dma_wait3A_422 = arith.constant 0 : i32
    %dma_wait3A_423 = arith.constant 0 : i32
    %dma_wait3A_424 = tpu.memref_slice %arg4[%arg1, %dma_wait3A_419, %dma_wait3A_422, %dma_wait3A_423] : memref<16x2x2x8064xi32, #tpu.memory_space<vmem_shared>> -> memref<1x1x2x8064xi32, #tpu.memory_space<vmem_shared>>
    %dma_wait3A_425 = tpu.memref_squeeze %dma_wait3A_424 : memref<1x1x2x8064xi32, #tpu.memory_space<vmem_shared>> -> memref<2x8064xi32, #tpu.memory_space<vmem_shared>>
    tpu.wait_dma2 semaphore(%arg7 : memref<!tpu.dma_semaphore, #tpu.memory_space<semaphore_mem>>) src(%dma_wait3A_425 : memref<2x8064xi32, #tpu.memory_space<vmem_shared>>) dst(%dma_wait3A_421 : memref<2x8064xi32, #tpu.memory_space<hbm>>)
    %add3A_426 = arith.constant 112896 : i32
    %add3A_427 = arith.addi %mul3A_2, %add3A_426 : i32
    %dma_start3A_428 = arith.constant 0 : i32
    %dma_start3A_429 = arith.constant 0 : i32
    %dma_start3A_430 = arith.constant 0 : i32
    %dma_start3A_431 = tpu.memref_slice %arg4[%arg1, %dma_start3A_428, %dma_start3A_429, %dma_start3A_430] : memref<16x2x2x8064xi32, #tpu.memory_space<vmem_shared>> -> memref<1x1x2x8064xi32, #tpu.memory_space<vmem_shared>>
    %dma_start3A_432 = tpu.memref_squeeze %dma_start3A_431 : memref<1x1x2x8064xi32, #tpu.memory_space<vmem_shared>> -> memref<2x8064xi32, #tpu.memory_space<vmem_shared>>
    %dma_start3A_433 = arith.constant 0 : i32
    %dma_start3A_434 = tpu.memref_slice %arg2[%dma_start3A_433, %add3A_427] : memref<2x4294967xi32, #tpu.memory_space<hbm>> -> memref<2x8064xi32, #tpu.memory_space<hbm>>
    tpu.enqueue_dma source(%dma_start3A_434 : memref<2x8064xi32, #tpu.memory_space<hbm>>) target(%dma_start3A_432 : memref<2x8064xi32, #tpu.memory_space<vmem_shared>>) target_semaphore(%arg5 : memref<!tpu.dma_semaphore, #tpu.memory_space<semaphore_mem>>)
    %dma_wait3A_435 = arith.constant 1 : i32
    %dma_wait3A_436 = arith.constant 0 : i32
    %dma_wait3A_437 = arith.constant 0 : i32
    %dma_wait3A_438 = tpu.memref_slice %arg4[%arg1, %dma_wait3A_435, %dma_wait3A_436, %dma_wait3A_437] : memref<16x2x2x8064xi32, #tpu.memory_space<vmem_shared>> -> memref<1x1x2x8064xi32, #tpu.memory_space<vmem_shared>>
    %dma_wait3A_439 = tpu.memref_squeeze %dma_wait3A_438 : memref<1x1x2x8064xi32, #tpu.memory_space<vmem_shared>> -> memref<2x8064xi32, #tpu.memory_space<vmem_shared>>
    %dma_wait3A_440 = arith.constant 0 : i32
    %dma_wait3A_441 = tpu.memref_slice %arg2[%dma_wait3A_440, %add3A_395] : memref<2x4294967xi32, #tpu.memory_space<hbm>> -> memref<2x8064xi32, #tpu.memory_space<hbm>>
    tpu.wait_dma2 semaphore(%arg6 : memref<!tpu.dma_semaphore, #tpu.memory_space<semaphore_mem>>) src(%dma_wait3A_441 : memref<2x8064xi32, #tpu.memory_space<hbm>>) dst(%dma_wait3A_439 : memref<2x8064xi32, #tpu.memory_space<vmem_shared>>)
    %add3A_442 = arith.constant 104832 : i32
    %add3A_443 = arith.addi %mul3A_2, %add3A_442 : i32
    %dma_start3A_444 = arith.constant 1 : i32
    %dma_start3A_445 = arith.constant 0 : i32
    %dma_start3A_446 = tpu.memref_slice %arg3[%dma_start3A_445, %add3A_443] : memref<2x4294967xi32, #tpu.memory_space<hbm>> -> memref<2x8064xi32, #tpu.memory_space<hbm>>
    %dma_start3A_447 = arith.constant 0 : i32
    %dma_start3A_448 = arith.constant 0 : i32
    %dma_start3A_449 = tpu.memref_slice %arg4[%arg1, %dma_start3A_444, %dma_start3A_447, %dma_start3A_448] : memref<16x2x2x8064xi32, #tpu.memory_space<vmem_shared>> -> memref<1x1x2x8064xi32, #tpu.memory_space<vmem_shared>>
    %dma_start3A_450 = tpu.memref_squeeze %dma_start3A_449 : memref<1x1x2x8064xi32, #tpu.memory_space<vmem_shared>> -> memref<2x8064xi32, #tpu.memory_space<vmem_shared>>
    tpu.enqueue_dma source(%dma_start3A_450 : memref<2x8064xi32, #tpu.memory_space<vmem_shared>>) target(%dma_start3A_446 : memref<2x8064xi32, #tpu.memory_space<hbm>>) target_semaphore(%arg8 : memref<!tpu.dma_semaphore, #tpu.memory_space<semaphore_mem>>)
    %dma_wait3A_451 = arith.constant 1 : i32
    %dma_wait3A_452 = arith.constant 0 : i32
    %dma_wait3A_453 = tpu.memref_slice %arg3[%dma_wait3A_452, %add3A_443] : memref<2x4294967xi32, #tpu.memory_space<hbm>> -> memref<2x8064xi32, #tpu.memory_space<hbm>>
    %dma_wait3A_454 = arith.constant 0 : i32
    %dma_wait3A_455 = arith.constant 0 : i32
    %dma_wait3A_456 = tpu.memref_slice %arg4[%arg1, %dma_wait3A_451, %dma_wait3A_454, %dma_wait3A_455] : memref<16x2x2x8064xi32, #tpu.memory_space<vmem_shared>> -> memref<1x1x2x8064xi32, #tpu.memory_space<vmem_shared>>
    %dma_wait3A_457 = tpu.memref_squeeze %dma_wait3A_456 : memref<1x1x2x8064xi32, #tpu.memory_space<vmem_shared>> -> memref<2x8064xi32, #tpu.memory_space<vmem_shared>>
    tpu.wait_dma2 semaphore(%arg8 : memref<!tpu.dma_semaphore, #tpu.memory_space<semaphore_mem>>) src(%dma_wait3A_457 : memref<2x8064xi32, #tpu.memory_space<vmem_shared>>) dst(%dma_wait3A_453 : memref<2x8064xi32, #tpu.memory_space<hbm>>)
    %add3A_458 = arith.constant 120960 : i32
    %add3A_459 = arith.addi %mul3A_2, %add3A_458 : i32
    %dma_start3A_460 = arith.constant 1 : i32
    %dma_start3A_461 = arith.constant 0 : i32
    %dma_start3A_462 = arith.constant 0 : i32
    %dma_start3A_463 = tpu.memref_slice %arg4[%arg1, %dma_start3A_460, %dma_start3A_461, %dma_start3A_462] : memref<16x2x2x8064xi32, #tpu.memory_space<vmem_shared>> -> memref<1x1x2x8064xi32, #tpu.memory_space<vmem_shared>>
    %dma_start3A_464 = tpu.memref_squeeze %dma_start3A_463 : memref<1x1x2x8064xi32, #tpu.memory_space<vmem_shared>> -> memref<2x8064xi32, #tpu.memory_space<vmem_shared>>
    %dma_start3A_465 = arith.constant 0 : i32
    %dma_start3A_466 = tpu.memref_slice %arg2[%dma_start3A_465, %add3A_459] : memref<2x4294967xi32, #tpu.memory_space<hbm>> -> memref<2x8064xi32, #tpu.memory_space<hbm>>
    tpu.enqueue_dma source(%dma_start3A_466 : memref<2x8064xi32, #tpu.memory_space<hbm>>) target(%dma_start3A_464 : memref<2x8064xi32, #tpu.memory_space<vmem_shared>>) target_semaphore(%arg6 : memref<!tpu.dma_semaphore, #tpu.memory_space<semaphore_mem>>)
    %dma_wait3A_467 = arith.constant 0 : i32
    %dma_wait3A_468 = arith.constant 0 : i32
    %dma_wait3A_469 = arith.constant 0 : i32
    %dma_wait3A_470 = tpu.memref_slice %arg4[%arg1, %dma_wait3A_467, %dma_wait3A_468, %dma_wait3A_469] : memref<16x2x2x8064xi32, #tpu.memory_space<vmem_shared>> -> memref<1x1x2x8064xi32, #tpu.memory_space<vmem_shared>>
    %dma_wait3A_471 = tpu.memref_squeeze %dma_wait3A_470 : memref<1x1x2x8064xi32, #tpu.memory_space<vmem_shared>> -> memref<2x8064xi32, #tpu.memory_space<vmem_shared>>
    %dma_wait3A_472 = arith.constant 0 : i32
    %dma_wait3A_473 = tpu.memref_slice %arg2[%dma_wait3A_472, %add3A_427] : memref<2x4294967xi32, #tpu.memory_space<hbm>> -> memref<2x8064xi32, #tpu.memory_space<hbm>>
    tpu.wait_dma2 semaphore(%arg5 : memref<!tpu.dma_semaphore, #tpu.memory_space<semaphore_mem>>) src(%dma_wait3A_473 : memref<2x8064xi32, #tpu.memory_space<hbm>>) dst(%dma_wait3A_471 : memref<2x8064xi32, #tpu.memory_space<vmem_shared>>)
    %add3A_474 = arith.constant 112896 : i32
    %add3A_475 = arith.addi %mul3A_2, %add3A_474 : i32
    %dma_start3A_476 = arith.constant 0 : i32
    %dma_start3A_477 = arith.constant 0 : i32
    %dma_start3A_478 = tpu.memref_slice %arg3[%dma_start3A_477, %add3A_475] : memref<2x4294967xi32, #tpu.memory_space<hbm>> -> memref<2x8064xi32, #tpu.memory_space<hbm>>
    %dma_start3A_479 = arith.constant 0 : i32
    %dma_start3A_480 = arith.constant 0 : i32
    %dma_start3A_481 = tpu.memref_slice %arg4[%arg1, %dma_start3A_476, %dma_start3A_479, %dma_start3A_480] : memref<16x2x2x8064xi32, #tpu.memory_space<vmem_shared>> -> memref<1x1x2x8064xi32, #tpu.memory_space<vmem_shared>>
    %dma_start3A_482 = tpu.memref_squeeze %dma_start3A_481 : memref<1x1x2x8064xi32, #tpu.memory_space<vmem_shared>> -> memref<2x8064xi32, #tpu.memory_space<vmem_shared>>
    tpu.enqueue_dma source(%dma_start3A_482 : memref<2x8064xi32, #tpu.memory_space<vmem_shared>>) target(%dma_start3A_478 : memref<2x8064xi32, #tpu.memory_space<hbm>>) target_semaphore(%arg7 : memref<!tpu.dma_semaphore, #tpu.memory_space<semaphore_mem>>)
    %dma_wait3A_483 = arith.constant 0 : i32
    %dma_wait3A_484 = arith.constant 0 : i32
    %dma_wait3A_485 = tpu.memref_slice %arg3[%dma_wait3A_484, %add3A_475] : memref<2x4294967xi32, #tpu.memory_space<hbm>> -> memref<2x8064xi32, #tpu.memory_space<hbm>>
    %dma_wait3A_486 = arith.constant 0 : i32
    %dma_wait3A_487 = arith.constant 0 : i32
    %dma_wait3A_488 = tpu.memref_slice %arg4[%arg1, %dma_wait3A_483, %dma_wait3A_486, %dma_wait3A_487] : memref<16x2x2x8064xi32, #tpu.memory_space<vmem_shared>> -> memref<1x1x2x8064xi32, #tpu.memory_space<vmem_shared>>
    %dma_wait3A_489 = tpu.memref_squeeze %dma_wait3A_488 : memref<1x1x2x8064xi32, #tpu.memory_space<vmem_shared>> -> memref<2x8064xi32, #tpu.memory_space<vmem_shared>>
    tpu.wait_dma2 semaphore(%arg7 : memref<!tpu.dma_semaphore, #tpu.memory_space<semaphore_mem>>) src(%dma_wait3A_489 : memref<2x8064xi32, #tpu.memory_space<vmem_shared>>) dst(%dma_wait3A_485 : memref<2x8064xi32, #tpu.memory_space<hbm>>)
    %add3A_490 = arith.constant 129024 : i32
    %add3A_491 = arith.addi %mul3A_2, %add3A_490 : i32
    %dma_start3A_492 = arith.constant 0 : i32
    %dma_start3A_493 = arith.constant 0 : i32
    %dma_start3A_494 = arith.constant 0 : i32
    %dma_start3A_495 = tpu.memref_slice %arg4[%arg1, %dma_start3A_492, %dma_start3A_493, %dma_start3A_494] : memref<16x2x2x8064xi32, #tpu.memory_space<vmem_shared>> -> memref<1x1x2x5120xi32, #tpu.memory_space<vmem_shared>>
    %dma_start3A_496 = tpu.memref_squeeze %dma_start3A_495 : memref<1x1x2x5120xi32, #tpu.memory_space<vmem_shared>> -> memref<2x5120xi32, #tpu.memory_space<vmem_shared>>
    %dma_start3A_497 = arith.constant 0 : i32
    %dma_start3A_498 = tpu.memref_slice %arg2[%dma_start3A_497, %add3A_491] : memref<2x4294967xi32, #tpu.memory_space<hbm>> -> memref<2x5120xi32, #tpu.memory_space<hbm>>
    tpu.enqueue_dma source(%dma_start3A_498 : memref<2x5120xi32, #tpu.memory_space<hbm>>) target(%dma_start3A_496 : memref<2x5120xi32, #tpu.memory_space<vmem_shared>>) target_semaphore(%arg5 : memref<!tpu.dma_semaphore, #tpu.memory_space<semaphore_mem>>)
    %dma_wait3A_499 = arith.constant 1 : i32
    %dma_wait3A_500 = arith.constant 0 : i32
    %dma_wait3A_501 = arith.constant 0 : i32
    %dma_wait3A_502 = tpu.memref_slice %arg4[%arg1, %dma_wait3A_499, %dma_wait3A_500, %dma_wait3A_501] : memref<16x2x2x8064xi32, #tpu.memory_space<vmem_shared>> -> memref<1x1x2x8064xi32, #tpu.memory_space<vmem_shared>>
    %dma_wait3A_503 = tpu.memref_squeeze %dma_wait3A_502 : memref<1x1x2x8064xi32, #tpu.memory_space<vmem_shared>> -> memref<2x8064xi32, #tpu.memory_space<vmem_shared>>
    %dma_wait3A_504 = arith.constant 0 : i32
    %dma_wait3A_505 = tpu.memref_slice %arg2[%dma_wait3A_504, %add3A_459] : memref<2x4294967xi32, #tpu.memory_space<hbm>> -> memref<2x8064xi32, #tpu.memory_space<hbm>>
    tpu.wait_dma2 semaphore(%arg6 : memref<!tpu.dma_semaphore, #tpu.memory_space<semaphore_mem>>) src(%dma_wait3A_505 : memref<2x8064xi32, #tpu.memory_space<hbm>>) dst(%dma_wait3A_503 : memref<2x8064xi32, #tpu.memory_space<vmem_shared>>)
    %add3A_506 = arith.constant 120960 : i32
    %add3A_507 = arith.addi %mul3A_2, %add3A_506 : i32
    %dma_start3A_508 = arith.constant 1 : i32
    %dma_start3A_509 = arith.constant 0 : i32
    %dma_start3A_510 = tpu.memref_slice %arg3[%dma_start3A_509, %add3A_507] : memref<2x4294967xi32, #tpu.memory_space<hbm>> -> memref<2x8064xi32, #tpu.memory_space<hbm>>
    %dma_start3A_511 = arith.constant 0 : i32
    %dma_start3A_512 = arith.constant 0 : i32
    %dma_start3A_513 = tpu.memref_slice %arg4[%arg1, %dma_start3A_508, %dma_start3A_511, %dma_start3A_512] : memref<16x2x2x8064xi32, #tpu.memory_space<vmem_shared>> -> memref<1x1x2x8064xi32, #tpu.memory_space<vmem_shared>>
    %dma_start3A_514 = tpu.memref_squeeze %dma_start3A_513 : memref<1x1x2x8064xi32, #tpu.memory_space<vmem_shared>> -> memref<2x8064xi32, #tpu.memory_space<vmem_shared>>
    tpu.enqueue_dma source(%dma_start3A_514 : memref<2x8064xi32, #tpu.memory_space<vmem_shared>>) target(%dma_start3A_510 : memref<2x8064xi32, #tpu.memory_space<hbm>>) target_semaphore(%arg8 : memref<!tpu.dma_semaphore, #tpu.memory_space<semaphore_mem>>)
    %dma_wait3A_515 = arith.constant 0 : i32
    %dma_wait3A_516 = arith.constant 0 : i32
    %dma_wait3A_517 = arith.constant 0 : i32
    %dma_wait3A_518 = tpu.memref_slice %arg4[%arg1, %dma_wait3A_515, %dma_wait3A_516, %dma_wait3A_517] : memref<16x2x2x8064xi32, #tpu.memory_space<vmem_shared>> -> memref<1x1x2x5120xi32, #tpu.memory_space<vmem_shared>>
    %dma_wait3A_519 = tpu.memref_squeeze %dma_wait3A_518 : memref<1x1x2x5120xi32, #tpu.memory_space<vmem_shared>> -> memref<2x5120xi32, #tpu.memory_space<vmem_shared>>
    %dma_wait3A_520 = arith.constant 0 : i32
    %dma_wait3A_521 = tpu.memref_slice %arg2[%dma_wait3A_520, %add3A_491] : memref<2x4294967xi32, #tpu.memory_space<hbm>> -> memref<2x5120xi32, #tpu.memory_space<hbm>>
    tpu.wait_dma2 semaphore(%arg5 : memref<!tpu.dma_semaphore, #tpu.memory_space<semaphore_mem>>) src(%dma_wait3A_521 : memref<2x5120xi32, #tpu.memory_space<hbm>>) dst(%dma_wait3A_519 : memref<2x5120xi32, #tpu.memory_space<vmem_shared>>)
    %add3A_522 = arith.constant 129024 : i32
    %add3A_523 = arith.addi %mul3A_2, %add3A_522 : i32
    %dma_start3A_524 = arith.constant 0 : i32
    %dma_start3A_525 = arith.constant 0 : i32
    %dma_start3A_526 = tpu.memref_slice %arg3[%dma_start3A_525, %add3A_523] : memref<2x4294967xi32, #tpu.memory_space<hbm>> -> memref<2x5120xi32, #tpu.memory_space<hbm>>
    %dma_start3A_527 = arith.constant 0 : i32
    %dma_start3A_528 = arith.constant 0 : i32
    %dma_start3A_529 = tpu.memref_slice %arg4[%arg1, %dma_start3A_524, %dma_start3A_527, %dma_start3A_528] : memref<16x2x2x8064xi32, #tpu.memory_space<vmem_shared>> -> memref<1x1x2x5120xi32, #tpu.memory_space<vmem_shared>>
    %dma_start3A_530 = tpu.memref_squeeze %dma_start3A_529 : memref<1x1x2x5120xi32, #tpu.memory_space<vmem_shared>> -> memref<2x5120xi32, #tpu.memory_space<vmem_shared>>
    tpu.enqueue_dma source(%dma_start3A_530 : memref<2x5120xi32, #tpu.memory_space<vmem_shared>>) target(%dma_start3A_526 : memref<2x5120xi32, #tpu.memory_space<hbm>>) target_semaphore(%arg7 : memref<!tpu.dma_semaphore, #tpu.memory_space<semaphore_mem>>)
    %dma_wait3A_531 = arith.constant 1 : i32
    %dma_wait3A_532 = arith.constant 0 : i32
    %dma_wait3A_533 = tpu.memref_slice %arg3[%dma_wait3A_532, %add3A_507] : memref<2x4294967xi32, #tpu.memory_space<hbm>> -> memref<2x8064xi32, #tpu.memory_space<hbm>>
    %dma_wait3A_534 = arith.constant 0 : i32
    %dma_wait3A_535 = arith.constant 0 : i32
    %dma_wait3A_536 = tpu.memref_slice %arg4[%arg1, %dma_wait3A_531, %dma_wait3A_534, %dma_wait3A_535] : memref<16x2x2x8064xi32, #tpu.memory_space<vmem_shared>> -> memref<1x1x2x8064xi32, #tpu.memory_space<vmem_shared>>
    %dma_wait3A_537 = tpu.memref_squeeze %dma_wait3A_536 : memref<1x1x2x8064xi32, #tpu.memory_space<vmem_shared>> -> memref<2x8064xi32, #tpu.memory_space<vmem_shared>>
    tpu.wait_dma2 semaphore(%arg8 : memref<!tpu.dma_semaphore, #tpu.memory_space<semaphore_mem>>) src(%dma_wait3A_537 : memref<2x8064xi32, #tpu.memory_space<vmem_shared>>) dst(%dma_wait3A_533 : memref<2x8064xi32, #tpu.memory_space<hbm>>)
    %dma_wait3A_538 = arith.constant 0 : i32
    %dma_wait3A_539 = arith.constant 0 : i32
    %dma_wait3A_540 = tpu.memref_slice %arg3[%dma_wait3A_539, %add3A_523] : memref<2x4294967xi32, #tpu.memory_space<hbm>> -> memref<2x5120xi32, #tpu.memory_space<hbm>>
    %dma_wait3A_541 = arith.constant 0 : i32
    %dma_wait3A_542 = arith.constant 0 : i32
    %dma_wait3A_543 = tpu.memref_slice %arg4[%arg1, %dma_wait3A_538, %dma_wait3A_541, %dma_wait3A_542] : memref<16x2x2x8064xi32, #tpu.memory_space<vmem_shared>> -> memref<1x1x2x5120xi32, #tpu.memory_space<vmem_shared>>
    %dma_wait3A_544 = tpu.memref_squeeze %dma_wait3A_543 : memref<1x1x2x5120xi32, #tpu.memory_space<vmem_shared>> -> memref<2x5120xi32, #tpu.memory_space<vmem_shared>>
    tpu.wait_dma2 semaphore(%arg7 : memref<!tpu.dma_semaphore, #tpu.memory_space<semaphore_mem>>) src(%dma_wait3A_544 : memref<2x5120xi32, #tpu.memory_space<vmem_shared>>) dst(%dma_wait3A_540 : memref<2x5120xi32, #tpu.memory_space<hbm>>)
    %eq3A = arith.constant 0 : i32
    %eq3A_545 = arith.cmpi eq, %add3A, %eq3A : i32
    %convert_element_type3A = arith.extui %eq3A_545 : i1 to i32
    %cond3A = arith.constant 0 : i32
    %cond3A_546 = arith.cmpi ne, %convert_element_type3A, %cond3A : i32
    scf.if %cond3A_546 {
      %run_scoped3A = arith.constant 0 : i32
      "tpu.region"() ({
        %run_scoped3A_548 = tpu.sem_alloc : memref<!tpu.dma_semaphore, #tpu.memory_space<semaphore_mem>>
        %dma_start3A_549 = arith.constant 0 : i32
        %dma_start3A_550 = arith.constant 0 : i32
        %dma_start3A_551 = tpu.memref_slice %arg4[%arg1, %run_scoped3A, %dma_start3A_549, %dma_start3A_550] : memref<16x2x2x8064xi32, #tpu.memory_space<vmem_shared>> -> memref<1x1x2x2304xi32, #tpu.memory_space<vmem_shared>>
        %dma_start3A_552 = tpu.memref_squeeze %dma_start3A_551 : memref<1x1x2x2304xi32, #tpu.memory_space<vmem_shared>> -> memref<2x2304xi32, #tpu.memory_space<vmem_shared>>
        %dma_start3A_553 = arith.constant 0 : i32
        %dma_start3A_554 = arith.constant 4292608 : i32
        %dma_start3A_555 = tpu.memref_slice %arg2[%dma_start3A_553, %dma_start3A_554] : memref<2x4294967xi32, #tpu.memory_space<hbm>> -> memref<2x2304xi32, #tpu.memory_space<hbm>>
        tpu.enqueue_dma source(%dma_start3A_555 : memref<2x2304xi32, #tpu.memory_space<hbm>>) target(%dma_start3A_552 : memref<2x2304xi32, #tpu.memory_space<vmem_shared>>) target_semaphore(%run_scoped3A_548 : memref<!tpu.dma_semaphore, #tpu.memory_space<semaphore_mem>>)
        %dma_wait3A_556 = arith.constant 0 : i32
        %dma_wait3A_557 = arith.constant 0 : i32
        %dma_wait3A_558 = tpu.memref_slice %arg4[%arg1, %run_scoped3A, %dma_wait3A_556, %dma_wait3A_557] : memref<16x2x2x8064xi32, #tpu.memory_space<vmem_shared>> -> memref<1x1x2x2304xi32, #tpu.memory_space<vmem_shared>>
        %dma_wait3A_559 = tpu.memref_squeeze %dma_wait3A_558 : memref<1x1x2x2304xi32, #tpu.memory_space<vmem_shared>> -> memref<2x2304xi32, #tpu.memory_space<vmem_shared>>
        %dma_wait3A_560 = arith.constant 0 : i32
        %dma_wait3A_561 = arith.constant 4292608 : i32
        %dma_wait3A_562 = tpu.memref_slice %arg2[%dma_wait3A_560, %dma_wait3A_561] : memref<2x4294967xi32, #tpu.memory_space<hbm>> -> memref<2x2304xi32, #tpu.memory_space<hbm>>
        tpu.wait_dma2 semaphore(%run_scoped3A_548 : memref<!tpu.dma_semaphore, #tpu.memory_space<semaphore_mem>>) src(%dma_wait3A_562 : memref<2x2304xi32, #tpu.memory_space<hbm>>) dst(%dma_wait3A_559 : memref<2x2304xi32, #tpu.memory_space<vmem_shared>>)
        tpu.yield
      }) : () -> ()
      %run_scoped3A_547 = arith.constant 0 : i32
      "tpu.region"() ({
        %run_scoped3A_548 = tpu.sem_alloc : memref<!tpu.dma_semaphore, #tpu.memory_space<semaphore_mem>>
        %dma_start3A_549 = arith.constant 0 : i32
        %dma_start3A_550 = arith.constant 4292608 : i32
        %dma_start3A_551 = tpu.memref_slice %arg3[%dma_start3A_549, %dma_start3A_550] : memref<2x4294967xi32, #tpu.memory_space<hbm>> -> memref<2x2304xi32, #tpu.memory_space<hbm>>
        %dma_start3A_552 = arith.constant 0 : i32
        %dma_start3A_553 = arith.constant 0 : i32
        %dma_start3A_554 = tpu.memref_slice %arg4[%arg1, %run_scoped3A_547, %dma_start3A_552, %dma_start3A_553] : memref<16x2x2x8064xi32, #tpu.memory_space<vmem_shared>> -> memref<1x1x2x2304xi32, #tpu.memory_space<vmem_shared>>
        %dma_start3A_555 = tpu.memref_squeeze %dma_start3A_554 : memref<1x1x2x2304xi32, #tpu.memory_space<vmem_shared>> -> memref<2x2304xi32, #tpu.memory_space<vmem_shared>>
        tpu.enqueue_dma source(%dma_start3A_555 : memref<2x2304xi32, #tpu.memory_space<vmem_shared>>) target(%dma_start3A_551 : memref<2x2304xi32, #tpu.memory_space<hbm>>) target_semaphore(%run_scoped3A_548 : memref<!tpu.dma_semaphore, #tpu.memory_space<semaphore_mem>>)
        %dma_wait3A_556 = arith.constant 0 : i32
        %dma_wait3A_557 = arith.constant 4292608 : i32
        %dma_wait3A_558 = tpu.memref_slice %arg3[%dma_wait3A_556, %dma_wait3A_557] : memref<2x4294967xi32, #tpu.memory_space<hbm>> -> memref<2x2304xi32, #tpu.memory_space<hbm>>
        %dma_wait3A_559 = arith.constant 0 : i32
        %dma_wait3A_560 = arith.constant 0 : i32
        %dma_wait3A_561 = tpu.memref_slice %arg4[%arg1, %run_scoped3A_547, %dma_wait3A_559, %dma_wait3A_560] : memref<16x2x2x8064xi32, #tpu.memory_space<vmem_shared>> -> memref<1x1x2x2304xi32, #tpu.memory_space<vmem_shared>>
        %dma_wait3A_562 = tpu.memref_squeeze %dma_wait3A_561 : memref<1x1x2x2304xi32, #tpu.memory_space<vmem_shared>> -> memref<2x2304xi32, #tpu.memory_space<vmem_shared>>
        tpu.wait_dma2 semaphore(%run_scoped3A_548 : memref<!tpu.dma_semaphore, #tpu.memory_space<semaphore_mem>>) src(%dma_wait3A_562 : memref<2x2304xi32, #tpu.memory_space<vmem_shared>>) dst(%dma_wait3A_558 : memref<2x2304xi32, #tpu.memory_space<hbm>>)
        tpu.yield
      }) : () -> ()
      "tpu.region"() ({
        %run_scoped3A_548 = memref.alloca() : memref<55xi32, #tpu.memory_space<vmem>>
        %run_scoped3A_549 = arith.constant 0 : i32
        "tpu.region"() ({
          %run_scoped3A_553 = tpu.sem_alloc : memref<!tpu.dma_semaphore, #tpu.memory_space<semaphore_mem>>
          %dma_start3A_554 = arith.constant 4294912 : i32
          %dma_start3A_555 = tpu.memref_slice %arg2[%run_scoped3A_549, %dma_start3A_554] : memref<2x4294967xi32, #tpu.memory_space<hbm>> -> memref<1x55xi32, #tpu.memory_space<hbm>>
          %dma_start3A_556 = tpu.memref_squeeze %dma_start3A_555 : memref<1x55xi32, #tpu.memory_space<hbm>> -> memref<55xi32, #tpu.memory_space<hbm>>
          %dma_start3A_557 = arith.constant 4294912 : i32
          %dma_start3A_558 = tpu.memref_slice %arg2[%run_scoped3A_549, %dma_start3A_557] : memref<2x4294967xi32, #tpu.memory_space<hbm>> -> memref<1x55xi32, #tpu.memory_space<hbm>>
          %dma_start3A_559 = tpu.memref_squeeze %dma_start3A_558 : memref<1x55xi32, #tpu.memory_space<hbm>> -> memref<55xi32, #tpu.memory_space<hbm>>
          tpu.enqueue_dma source(%dma_start3A_559 : memref<55xi32, #tpu.memory_space<hbm>>) target(%run_scoped3A_548 : memref<55xi32, #tpu.memory_space<vmem>>) target_semaphore(%run_scoped3A_553 : memref<!tpu.dma_semaphore, #tpu.memory_space<semaphore_mem>>)
          %dma_wait3A_560 = arith.constant 4294912 : i32
          %dma_wait3A_561 = tpu.memref_slice %arg2[%run_scoped3A_549, %dma_wait3A_560] : memref<2x4294967xi32, #tpu.memory_space<hbm>> -> memref<1x55xi32, #tpu.memory_space<hbm>>
          %dma_wait3A_562 = tpu.memref_squeeze %dma_wait3A_561 : memref<1x55xi32, #tpu.memory_space<hbm>> -> memref<55xi32, #tpu.memory_space<hbm>>
          %dma_wait3A_563 = arith.constant 4294912 : i32
          %dma_wait3A_564 = tpu.memref_slice %arg2[%run_scoped3A_549, %dma_wait3A_563] : memref<2x4294967xi32, #tpu.memory_space<hbm>> -> memref<1x55xi32, #tpu.memory_space<hbm>>
          %dma_wait3A_565 = tpu.memref_squeeze %dma_wait3A_564 : memref<1x55xi32, #tpu.memory_space<hbm>> -> memref<55xi32, #tpu.memory_space<hbm>>
          tpu.wait_dma2 semaphore(%run_scoped3A_553 : memref<!tpu.dma_semaphore, #tpu.memory_space<semaphore_mem>>) src(%dma_wait3A_565 : memref<55xi32, #tpu.memory_space<hbm>>) dst(%run_scoped3A_548 : memref<55xi32, #tpu.memory_space<vmem>>)
          tpu.yield
        }) : () -> ()
        %run_scoped3A_550 = arith.constant 0 : i32
        "tpu.region"() ({
          %run_scoped3A_553 = tpu.sem_alloc : memref<!tpu.dma_semaphore, #tpu.memory_space<semaphore_mem>>
          %dma_start3A_554 = arith.constant 4294912 : i32
          %dma_start3A_555 = tpu.memref_slice %arg3[%run_scoped3A_550, %dma_start3A_554] : memref<2x4294967xi32, #tpu.memory_space<hbm>> -> memref<1x55xi32, #tpu.memory_space<hbm>>
          %dma_start3A_556 = tpu.memref_squeeze %dma_start3A_555 : memref<1x55xi32, #tpu.memory_space<hbm>> -> memref<55xi32, #tpu.memory_space<hbm>>
          %dma_start3A_557 = arith.constant 4294912 : i32
          %dma_start3A_558 = tpu.memref_slice %arg3[%run_scoped3A_550, %dma_start3A_557] : memref<2x4294967xi32, #tpu.memory_space<hbm>> -> memref<1x55xi32, #tpu.memory_space<hbm>>
          %dma_start3A_559 = tpu.memref_squeeze %dma_start3A_558 : memref<1x55xi32, #tpu.memory_space<hbm>> -> memref<55xi32, #tpu.memory_space<hbm>>
          tpu.enqueue_dma source(%run_scoped3A_548 : memref<55xi32, #tpu.memory_space<vmem>>) target(%dma_start3A_559 : memref<55xi32, #tpu.memory_space<hbm>>) target_semaphore(%run_scoped3A_553 : memref<!tpu.dma_semaphore, #tpu.memory_space<semaphore_mem>>)
          %dma_wait3A_560 = arith.constant 4294912 : i32
          %dma_wait3A_561 = tpu.memref_slice %arg3[%run_scoped3A_550, %dma_wait3A_560] : memref<2x4294967xi32, #tpu.memory_space<hbm>> -> memref<1x55xi32, #tpu.memory_space<hbm>>
          %dma_wait3A_562 = tpu.memref_squeeze %dma_wait3A_561 : memref<1x55xi32, #tpu.memory_space<hbm>> -> memref<55xi32, #tpu.memory_space<hbm>>
          %dma_wait3A_563 = arith.constant 4294912 : i32
          %dma_wait3A_564 = tpu.memref_slice %arg3[%run_scoped3A_550, %dma_wait3A_563] : memref<2x4294967xi32, #tpu.memory_space<hbm>> -> memref<1x55xi32, #tpu.memory_space<hbm>>
          %dma_wait3A_565 = tpu.memref_squeeze %dma_wait3A_564 : memref<1x55xi32, #tpu.memory_space<hbm>> -> memref<55xi32, #tpu.memory_space<hbm>>
          tpu.wait_dma2 semaphore(%run_scoped3A_553 : memref<!tpu.dma_semaphore, #tpu.memory_space<semaphore_mem>>) src(%run_scoped3A_548 : memref<55xi32, #tpu.memory_space<vmem>>) dst(%dma_wait3A_565 : memref<55xi32, #tpu.memory_space<hbm>>)
          tpu.yield
        }) : () -> ()
        %run_scoped3A_551 = arith.constant 1 : i32
        "tpu.region"() ({
          %run_scoped3A_553 = tpu.sem_alloc : memref<!tpu.dma_semaphore, #tpu.memory_space<semaphore_mem>>
          %dma_start3A_554 = arith.constant 4294912 : i32
          %dma_start3A_555 = tpu.memref_slice %arg2[%run_scoped3A_551, %dma_start3A_554] : memref<2x4294967xi32, #tpu.memory_space<hbm>> -> memref<1x55xi32, #tpu.memory_space<hbm>>
          %dma_start3A_556 = tpu.memref_squeeze %dma_start3A_555 : memref<1x55xi32, #tpu.memory_space<hbm>> -> memref<55xi32, #tpu.memory_space<hbm>>
          %dma_start3A_557 = arith.constant 4294912 : i32
          %dma_start3A_558 = tpu.memref_slice %arg2[%run_scoped3A_551, %dma_start3A_557] : memref<2x4294967xi32, #tpu.memory_space<hbm>> -> memref<1x55xi32, #tpu.memory_space<hbm>>
          %dma_start3A_559 = tpu.memref_squeeze %dma_start3A_558 : memref<1x55xi32, #tpu.memory_space<hbm>> -> memref<55xi32, #tpu.memory_space<hbm>>
          tpu.enqueue_dma source(%dma_start3A_559 : memref<55xi32, #tpu.memory_space<hbm>>) target(%run_scoped3A_548 : memref<55xi32, #tpu.memory_space<vmem>>) target_semaphore(%run_scoped3A_553 : memref<!tpu.dma_semaphore, #tpu.memory_space<semaphore_mem>>)
          %dma_wait3A_560 = arith.constant 4294912 : i32
          %dma_wait3A_561 = tpu.memref_slice %arg2[%run_scoped3A_551, %dma_wait3A_560] : memref<2x4294967xi32, #tpu.memory_space<hbm>> -> memref<1x55xi32, #tpu.memory_space<hbm>>
          %dma_wait3A_562 = tpu.memref_squeeze %dma_wait3A_561 : memref<1x55xi32, #tpu.memory_space<hbm>> -> memref<55xi32, #tpu.memory_space<hbm>>
          %dma_wait3A_563 = arith.constant 4294912 : i32
          %dma_wait3A_564 = tpu.memref_slice %arg2[%run_scoped3A_551, %dma_wait3A_563] : memref<2x4294967xi32, #tpu.memory_space<hbm>> -> memref<1x55xi32, #tpu.memory_space<hbm>>
          %dma_wait3A_565 = tpu.memref_squeeze %dma_wait3A_564 : memref<1x55xi32, #tpu.memory_space<hbm>> -> memref<55xi32, #tpu.memory_space<hbm>>
          tpu.wait_dma2 semaphore(%run_scoped3A_553 : memref<!tpu.dma_semaphore, #tpu.memory_space<semaphore_mem>>) src(%dma_wait3A_565 : memref<55xi32, #tpu.memory_space<hbm>>) dst(%run_scoped3A_548 : memref<55xi32, #tpu.memory_space<vmem>>)
          tpu.yield
        }) : () -> ()
        %run_scoped3A_552 = arith.constant 1 : i32
        "tpu.region"() ({
          %run_scoped3A_553 = tpu.sem_alloc : memref<!tpu.dma_semaphore, #tpu.memory_space<semaphore_mem>>
          %dma_start3A_554 = arith.constant 4294912 : i32
          %dma_start3A_555 = tpu.memref_slice %arg3[%run_scoped3A_552, %dma_start3A_554] : memref<2x4294967xi32, #tpu.memory_space<hbm>> -> memref<1x55xi32, #tpu.memory_space<hbm>>
          %dma_start3A_556 = tpu.memref_squeeze %dma_start3A_555 : memref<1x55xi32, #tpu.memory_space<hbm>> -> memref<55xi32, #tpu.memory_space<hbm>>
          %dma_start3A_557 = arith.constant 4294912 : i32
          %dma_start3A_558 = tpu.memref_slice %arg3[%run_scoped3A_552, %dma_start3A_557] : memref<2x4294967xi32, #tpu.memory_space<hbm>> -> memref<1x55xi32, #tpu.memory_space<hbm>>
          %dma_start3A_559 = tpu.memref_squeeze %dma_start3A_558 : memref<1x55xi32, #tpu.memory_space<hbm>> -> memref<55xi32, #tpu.memory_space<hbm>>
          tpu.enqueue_dma source(%run_scoped3A_548 : memref<55xi32, #tpu.memory_space<vmem>>) target(%dma_start3A_559 : memref<55xi32, #tpu.memory_space<hbm>>) target_semaphore(%run_scoped3A_553 : memref<!tpu.dma_semaphore, #tpu.memory_space<semaphore_mem>>)
          %dma_wait3A_560 = arith.constant 4294912 : i32
          %dma_wait3A_561 = tpu.memref_slice %arg3[%run_scoped3A_552, %dma_wait3A_560] : memref<2x4294967xi32, #tpu.memory_space<hbm>> -> memref<1x55xi32, #tpu.memory_space<hbm>>
          %dma_wait3A_562 = tpu.memref_squeeze %dma_wait3A_561 : memref<1x55xi32, #tpu.memory_space<hbm>> -> memref<55xi32, #tpu.memory_space<hbm>>
          %dma_wait3A_563 = arith.constant 4294912 : i32
          %dma_wait3A_564 = tpu.memref_slice %arg3[%run_scoped3A_552, %dma_wait3A_563] : memref<2x4294967xi32, #tpu.memory_space<hbm>> -> memref<1x55xi32, #tpu.memory_space<hbm>>
          %dma_wait3A_565 = tpu.memref_squeeze %dma_wait3A_564 : memref<1x55xi32, #tpu.memory_space<hbm>> -> memref<55xi32, #tpu.memory_space<hbm>>
          tpu.wait_dma2 semaphore(%run_scoped3A_553 : memref<!tpu.dma_semaphore, #tpu.memory_space<semaphore_mem>>) src(%run_scoped3A_548 : memref<55xi32, #tpu.memory_space<vmem>>) dst(%dma_wait3A_565 : memref<55xi32, #tpu.memory_space<hbm>>)
          tpu.yield
        }) : () -> ()
        tpu.yield
      }) : () -> ()
    } else {
    }
    return
  }
}

module attributes {stable_mosaic.version = 14 : i64} {
  func.func @_dropout_body(%arg0: i32, %arg1: memref<262144xf32, #tpu.memory_space<vmem>>, %arg2: memref<262144xf32, #tpu.memory_space<vmem>>, %arg3: memref<262144xf32, #tpu.memory_space<vmem>>) attributes {dimension_semantics = [#tpu.dimension_semantics<arbitrary>], iteration_bounds = array<i64: 17>, scalar_prefetch = 0 : i64, scratch_operands = 0 : i64, tpu.core_type = #tpu.core_type<tc>, window_params = [{transform_indices = @transform_0, window_bounds = array<i64: 262144>}, {transform_indices = @transform_1, window_bounds = array<i64: 262144>}, {transform_indices = @transform_2, window_bounds = array<i64: 262144>}]} {
    %get3A = arith.constant 0 : index
    %get3A_0 = vector.load %arg2[%get3A] : memref<262144xf32, #tpu.memory_space<vmem>>, vector<262144xf32>
    %add3A = arith.constant 5.000000e-01 : f32
    %add3A_1 = vector.broadcast %add3A : f32 to vector<262144xf32>
    %add3A_2 = arith.addf %get3A_0, %add3A_1 : vector<262144xf32>
    %floor3A = math.floor %add3A_2 : vector<262144xf32>
    %get3A_3 = arith.constant 0 : index
    %get3A_4 = vector.load %arg1[%get3A_3] : memref<262144xf32, #tpu.memory_space<vmem>>, vector<262144xf32>
    %mul3A = arith.constant 2.000000e+00 : f32
    %mul3A_5 = vector.broadcast %mul3A : f32 to vector<262144xf32>
    %mul3A_6 = arith.mulf %floor3A, %mul3A_5 : vector<262144xf32>
    %mul3A_7 = arith.mulf %get3A_4, %mul3A_6 : vector<262144xf32>
    %swap3A = arith.constant 0 : index
    %swap3A_8 = vector.load %arg3[%swap3A] : memref<262144xf32, #tpu.memory_space<vmem>>, vector<262144xf32>
    tpu.vector_store %arg3[%swap3A], %mul3A_7 {strides = array<i32>} : memref<262144xf32, #tpu.memory_space<vmem>>, vector<262144xf32>,
    return
  }
  func.func @transform_0(%arg0: i32) -> i32 {
    %c0_i32 = arith.constant 0 : i32
    return %arg0 : i32
  }
  func.func @transform_1(%arg0: i32) -> i32 {
    %c0_i32 = arith.constant 0 : i32
    return %arg0 : i32
  }
  func.func @transform_2(%arg0: i32) -> i32 {
    %c0_i32 = arith.constant 0 : i32
    return %arg0 : i32
  }
}

</mosaic_0001>

<sc_bundles>
// kernel: kernel.4.cloned.1.call-start
scs
__scs_entry_jumppad:
0x0: {  	(pc) =	sbr.rel $0x88, $3  }
0x1: {  	(tag) =	ssettag $0x0;
	lr =	simm.s32 $0x1  }
0x2: {  	[smem:$0x3F9E] =	sst lr;
	_ =	strace $0xD0000000  }
0x3: {  	_ = 	snop  }
0x4: {  	_ = 	snop  }
0x5: {  	_ = 	snop  }
0x6: {  	_ = 	snop  }
0x7: {  	_ = 	snop  }
__scs_overlays_trampoline_lowered:
0x8: {  	[smem:$0x3FAD] =	sst s0  }
0x9: {  	[smem:$0x3FAE] =	sst s1  }
0xa: {  	[smem:$0x3FAF] =	sst s2  }
0xb: {  	[smem:$0x3FB0] =	sst s3  }
0xc: {  	[smem:$0x3FB1] =	sst s4  }
0xd: {  	[smem:$0x3FB2] =	sst s5  }
0xe: {  	[smem:$0x3FB3] =	sst s6  }
0xf: {  	[smem:$0x3FB4] =	sst s7  }
0x10: {  	[smem:$0x3FB5] =	sst s8  }
0x11: {  	[smem:$0x3FB6] =	sst s9;
	s0 =	simm.s32 @!p0 $0x0  }
0x12: {  	s1 =	sld [smem:$0x3F9C];
	s0 =	simm.s32 @p0 $0x1  }
0x13: {  	[smem:$0x3FB7] =	sst s0;
	s0 =	simm.s32 @!p1 $0x0  }
0x14: {  	s2 =	sld [smem:$0x3F9B];
	s0 =	simm.s32 @p1 $0x1  }
0x15: {  	[smem:$0x3FB8] =	sst s0;
	s0 =	simm.s32 @!p2 $0x0  }
0x16: {  	s3 =	sld [smem:$0x3FDB];
	s0 =	simm.s32 @p2 $0x1  }
0x17: {  	s4 =	simm.s32 $0x1BF5;
	[smem:$0x3FBA] =	sst s0  }
0x18: {  	s0 =	sld [smem:$0x3F9D];
	_ =	swait.ge [sflag:s4], $0x0  }
0x19: {  	s7 =	sld [smem:$0x3F9E]  }
0x1a: {  	s8 =	sadd.s32 $0xFFFFE003, lr  }
0x1b: {  	s9 =	sadd.s32 $0xFFFFFEF7, lr;
	s5 =	simm.s32 $0xFFFFFFFF;
	p2 =	slt.u32 s8, $0xFFFFF086  }
0x1c: {  	p1 =	slt.u32 s9, $0xF7A;
	s5 =	simm.s32 @!p2 $0x0  }
0x1d: {  	s5 =	simm.s32 @p1 $0x1;
	p0 =	seq.s32 s7, s2  }
0x1e: {  	s7 =	smul.u32 @!p0 $0xF7A, s2;
	p2 =	seq.s32 @!p0 s5, $0x0  }
0x1f: {  	s9 =	smul.u32 $0xF7A, s1;
	s8 =	simm.s32 @!p0 $0x1BF5;
	p2 =	por !p2, p0  }
0x20: {  	[sflag:s8] =	ssyncset.s32 @!p0 $0xFFFFF086;
	s6 =	sadd.s32 @!p0 s3, s7;
	s7 =	simm.s32 @!p0 $0x108  }
0x21: {  	s3 =	sadd.s32 s3, s9;
	s6 =	sadd.s32 @!p0 $0x88, s6;
	s7 =	simm.s32 @p2 $0x1082  }
0x22: {  	[simem:s7], [sflag:s8] =	dma.local @!p0 [hbm:s6], $0xF7A  }
0x23: {  	s9 =	sor.u32 $0xD0000000, s2;
	s6 =	simm.s32 $0x108;
	_ =	swait.ge @!p0 [sflag:s8], $0x0  }
0x24: {  	s3 =	sadd.s32 $0x88, s3;
	s6 =	simm.s32 @!p1 $0x1082;
	[sflag:s4] =	ssyncset.s32 $0xFFFFF086  }
0x25: {  	[simem:s6], [sflag:s4] =	dma.local [hbm:s3], $0xF7A  }
0x26: {  	[smem:$0x3F9E] =	sst s1;
	(tag) =	ssettag s2;
	_ =	strace s9  }
0x27: {  	s1 =	sld [smem:$0x3FAE]  }
0x28: {  	s2 =	sld [smem:$0x3FAF]  }
0x29: {  	s4 =	sld [smem:$0x3FB1]  }
0x2a: {  	p0 =	seq.s32 s5, $0x0;
	s5 =	sld [smem:$0x3FB2]  }
0x2b: {  	s6 =	sld [smem:$0x3FB3]  }
0x2c: {  	s7 =	sld [smem:$0x3FB4]  }
0x2d: {  	s3 =	simm.s32 $0x108;
	s8 =	sld [smem:$0x3FB5]  }
0x2e: {  	s3 =	simm.s32 @!p0 $0x1082;
	s9 =	sld [smem:$0x3FB6]  }
0x2f: {  	lr =	sadd.s32 s0, s3;
	s0 =	sld [smem:$0x3FAD]  }
0x30: {  	s3 =	sld [smem:$0x3FB0]  }
0x31: {  	[smem:$0x3FB9] =	sst s10  }
0x32: {  	s10 =	sld [smem:$0x3FB7];
	_ =	sdelay $0x3  }
0x33: {  	p0 =	seq.s32 s10, $0x1;
	s10 =	sld [smem:$0x3FB9];
	_ =	sdelay $0x3  }
0x34: {  	[smem:$0x3FB9] =	sst s10  }
0x35: {  	s10 =	sld [smem:$0x3FB8];
	_ =	sdelay $0x3  }
0x36: {  	p1 =	seq.s32 s10, $0x1;
	s10 =	sld [smem:$0x3FB9];
	_ =	sdelay $0x3  }
0x37: {  	[smem:$0x3FB9] =	sst s10  }
0x38: {  	s10 =	sld [smem:$0x3FBA]  }
0x39: {  	_ = 	snop;
	(pc) =	sbr.ind lr, $3  }
0x3a: {  	_ = 	snop  }
0x3b: {  	_ = 	snop  }
0x3c: {  	p2 =	seq.s32 s10, $0x1;
	s10 =	sld [smem:$0x3FB9]  }
0x3d: {  	_ =	shalt  }
0x3e: {  	_ =	shalt  }
0x3f: {  	_ =	shalt  }
0x40: {  	_ =	shalt  }
0x41: {  	_ =	shalt  }
0x42: {  	_ =	shalt  }
0x43: {  	_ =	shalt  }
0x44: {  	_ =	shalt  }
0x45: {  	_ =	shalt  }
0x46: {  	_ =	shalt  }
0x47: {  	_ =	shalt  }
0x48: {  	_ =	shalt  }
0x49: {  	_ =	shalt  }
0x4a: {  	_ =	shalt  }
0x4b: {  	_ =	shalt  }
0x4c: {  	_ =	shalt  }
0x4d: {  	_ =	shalt  }
0x4e: {  	_ =	shalt  }
0x4f: {  	_ =	shalt  }
0x50: {  	_ =	shalt  }
0x51: {  	_ =	shalt  }
0x52: {  	_ =	shalt  }
0x53: {  	_ =	shalt  }
0x54: {  	_ =	shalt  }
0x55: {  	_ =	shalt  }
0x56: {  	_ =	shalt  }
0x57: {  	_ =	shalt  }
0x58: {  	_ =	shalt  }
0x59: {  	_ =	shalt  }
0x5a: {  	_ =	shalt  }
0x5b: {  	_ =	shalt  }
0x5c: {  	_ =	shalt  }
0x5d: {  	_ =	shalt  }
0x5e: {  	_ =	shalt  }
0x5f: {  	_ =	shalt  }
0x60: {  	_ =	shalt  }
0x61: {  	_ =	shalt  }
0x62: {  	_ =	shalt  }
0x63: {  	_ =	shalt  }
0x64: {  	_ =	shalt  }
0x65: {  	_ =	shalt  }
0x66: {  	_ =	shalt  }
0x67: {  	_ =	shalt  }
0x68: {  	_ =	shalt  }
0x69: {  	_ =	shalt  }
0x6a: {  	_ =	shalt  }
0x6b: {  	_ =	shalt  }
0x6c: {  	_ =	shalt  }
0x6d: {  	_ =	shalt  }
0x6e: {  	_ =	shalt  }
0x6f: {  	_ =	shalt  }
0x70: {  	_ =	shalt  }
0x71: {  	_ =	shalt  }
0x72: {  	_ =	shalt  }
0x73: {  	_ =	shalt  }
0x74: {  	_ =	shalt  }
0x75: {  	_ =	shalt  }
0x76: {  	_ =	shalt  }
0x77: {  	_ =	shalt  }
0x78: {  	_ =	shalt  }
0x79: {  	_ =	shalt  }
0x7a: {  	_ =	shalt  }
0x7b: {  	_ =	shalt  }
0x7c: {  	_ =	shalt  }
0x7d: {  	_ =	shalt  }
0x7e: {  	_ =	shalt  }
0x7f: {  	_ =	shalt  }
0x80: {  	_ =	shalt  }
0x81: {  	_ =	shalt  }
0x82: {  	_ =	shalt  }
0x83: {  	_ =	shalt  }
0x84: {  	_ =	shalt  }
0x85: {  	_ =	shalt  }
0x86: {  	_ =	shalt  }
0x87: {  	_ =	shalt  }
.Lfunc_end0:
.L_simem_size_0:
called_computation_lowered:
.L_overlay_start_0:
0x88: {  	s2 =	sld [smem:$0x3FD9]  }
0x89: {  	s3 =	sld [smem:$0x3FFE];
	_ =	sdelay $0x1  }
0x8a: {  	s1 =	srdreg.scid  }
0x8b: {  	s0 =	sand.u32 $0x1, s1  }
0x8c: {  	s15 =	sshll.u32 s0, $0xA;
	s2 =	sadd.s32 s3, s2  }
0x8d: {  	s2 =	sadd.s32 s2, s15  }
0x8e: {  	[smem:$0x3FC5] =	sst s2  }
0x8f: {  	_ = 	snop  }
0x90: {  	s2 =	sld [smem:$0x3FD0];
	_ =	sdelay $0x2  }
0x91: {  	s4 =	simm.s32 $0xA;
	s5 =	simm.s32 $0x10;
	s16 =	sld [smem:$0x3FC9]  }
0x92: {  	[smem:s5], [sflag:s4] =	dma.local [hbm:s2], $0x1  }
0x93: {  	_ =	swait.eq [sflag:s4], $0x1  }
0x94: {  	[sflag:s4] =	ssyncset.done $0x0  }
0x95: {  	[sflag:s4] =	ssyncadd.s32 $0xFFFFFFFF  }
0x96: {  	s17 =	sld [smem:$0x10];
	(tm) =	ssettm $0x1  }
0x97: {  	s18 =	sld [smem:$0x3FFB];
	_ =	sdelay $0x3  }
0x98: {  	_ =	strace s18  }
0x99: {  	s4 =	sld [smem:$0x3FFC];
	_ =	sdelay $0x3  }
0x9a: {  	_ =	strace s4  }
0x9b: {  	s4 =	sld [smem:$0x3FFD];
	_ =	sdelay $0x3  }
0x9c: {  	_ =	strace s4  }
0x9d: {  	_ =	strace $0x8FFFFFFF  }
0x9e: {  	s19 =	sld [smem:$0x3FDB];
	_ =	sdelay $0x1  }
0x9f: {  	s20 =	simm.s32 $_scs_section_size  }
0xa0: {  	s6 =	simm.s32 $_size__tile_overlayer_lowered;
	s7 =	simm.s32 $_tile_overlayer_lowered  }
0xa1: {  	s23 =	simm.s32 $0x1BFF;
	s22 =	sshll.u32 s7, $0x1;
	s4 =	sadd.s32 s20, s19  }
0xa2: {  	s8 =	simm.s32 $0x0;
	s21 =	sshll.u32 s6, $0x1;
	s6 =	sadd.s32 s22, s4  }
0xa3: {  	[timem:s8], [sflag:s23] =	dma.local [hbm:s6], s21  }
0xa4: {  	_ =	swait.ge [sflag:s23], s21  }
0xa5: {  	s5 =	ssub.s32 $0x0, s21;
	[sflag:s23] =	ssyncset.done $0x0  }
0xa6: {  	[sflag:s23] =	ssyncadd.s32 s5;
	_ =	sdelay $0x1  }
0xa7: {  	s24 =	simm.s32 $0x1B8B  }
0xa8: {  	_ =	swait.ge [sflag:s24], $0x1  }
0xa9: {  	[sflag:s24] =	ssyncset.done $0x0  }
0xaa: {  	s25 =	simm.s32 $0x1B8E;
	[sflag:s24] =	ssyncadd.s32 $0xFFFFFFFF  }
0xab: {  	s26 =	simm.s32 $execute0_lowered;
	[smem:$0x3FD2] =	sst s25  }
0xac: {  	s5 =	sshll.u32 s26, $0x1;
	_ =	strace $0x80000046;
	[dreg:$0x1] =	wrdreg $0xFFFFFFFF  }
0xad: {  	s28 =	simm.s32 $_size_execute0_lowered;
	s4 =	sadd.s32 s4, s5;
	[dreg:$0x0] =	wrdreg $0x0  }
0xae: {  	s5 =	sshll.u32 s28, $0x1;
	[dreg:$0x2] =	wrdreg s4  }
0xaf: {  	[dreg:$0x3] =	wrdreg s5  }
0xb0: {  	[dreg:$0x4] =	wrdreg $0xC0  }
0xb1: {  	_ =	task [dreg:s8], $0x5FFFF  }
0xb2: {  	[dreg:$0x1] =	wrdreg $0xFFFFFFFF  }
0xb3: {  	[dreg:$0x0] =	wrdreg $0x60  }
0xb4: {  	[dreg:$0x2] =	wrdreg s16  }
0xb5: {  	[dreg:$0x3] =	wrdreg s17  }
0xb6: {  	[dreg:$0x4] =	wrdreg $0x0  }
0xb7: {  	[dreg:$0x5] =	wrdreg $0x9  }
0xb8: {  	_ =	task.clear_ibuf [dreg:s8], $0x6FFFF;
	_ =	strace $0x90000046  }
0xb9: {  	s29 =	simm.s32 $0x9;
	_ =	strace $0x80000048  }
0xba: {  	_ =	swait.ge [sflag:s29], $0x1  }
0xbb: {  	[sflag:s29] =	ssyncadd.s32 $0xFFFFFFFF  }
0xbc: {  	_ =	strace $0x90000048  }
0xbd: {  	_ =	sfence  }
0xbe: {  	s30 =	sld [smem:$0x0];
	_ =	sdelay $0x2  }
0xbf: {  	s31 =	sshll.u32 s1, $0xD;
	s1 =	sshrl.u32 s1, $0x2  }
0xc0: {  	s3 =	sand.u32 $0x4000, s31;
	s1 =	sadd.s32 s1, s30  }
0xc1: {  	s0 =	sor.u32 s3, s0;
	s1 =	sshll.u32 s1, $0x11  }
0xc2: {  	s0 =	sor.u32 s1, s0  }
0xc3: {  	s0 =	sadd.s32 $0x8F2B, s0  }
0xc4: {  	[sflag:s0] =	ssyncadd.remote.s32 $0x1  }
0xc5: {  	_ =	sfence.sel $0xFFFF  }
0xc6: {  	[dreg:$0x0] =	wrdreg $0xFFFFFFFF;
	(pc) =	sbr.abs _section_cstart, $3  }
0xc7: {  	[dreg:$0x1] =	wrdreg $0xFFFFFFFF  }
0xc8: {  	_ =	task.clear_ibuf [dreg:s8], $0x2FFFF;
	_ =	strace $0x9FFFFFFF  }
0xc9: {  	(tm) =	ssettm $0x7FFFFFFF  }
tec
execute0_lowered:
.L_overlay_start_1:
0x0: {  	(tag) =	ssettag $0x1  }
0x1: {  	s0 =	srdreg.scid;
	s1 =	rddreg [dreg:$0x0]  }
0x2: {  	s25 =	stileid.u32;
	s2 =	rddreg [dreg:$0x1]  }
0x3: {  	s4 =	rddreg [dreg:$0x2];
	s0 =	sand.u32 $0x1, s0;
	s3 =	sshll.u32 s25, $0x1  }
0x4: {  	s26 =	rddreg [dreg:$0x3];
	s11 =	sor.u32 s0, s3  }
0x5: {  	s5 =	simm.s32 $0x0;
	p1 =	por $0x0, $0x0;
	s3 =	smul.u32 $0x41800, s11  }
0x6: {  	[smem:$0x7FF] =	sst s5;
	s5 =	sadd.s32 $0x106240, s1;
	s6 =	smul.u32 $0x8300, s11  }
0x7: {  	_ =	strace $0x80000047;
	s0 =	ssub.s32 $0x2, s0;
	p0 =	sne.s32 s11, $0x0  }
0x8: {  	s11 =	simm.s32 $0x3;
	s3 =	sshrl.u32 s3, $0x3;
	s24 =	sadd.s32 s1, s6  }
0x9: {  	s29 =	sadd.s32 s2, s6;
	s7 =	sadd.s32 $0x7E0, s3;
	[dreg:$0x4] =	wrdreg s24  }
0xa: {  	s30 =	sadd.s32 $0xFC0, s3;
	[dreg:$0x6] =	wrdreg s29;
	s28 =	sadd.s32 s1, s7  }
0xb: {  	s6 =	sadd.s32 $0x106000, s2;
	s31 =	sadd.s32 s1, s30;
	[dreg:$0x5] =	wrdreg s28  }
0xc: {  	s9 =	sadd.s32 $0x17A0, s3;
	s8 =	sadd.s32 s2, s7;
	[dreg:$0x7] =	wrdreg s31  }
0xd: {  	s13 =	sadd.s32 $0x1F80, s3;
	s10 =	sadd.s32 s1, s9;
	[dreg:$0x8] =	wrdreg s8  }
0xe: {  	s16 =	sadd.s32 $0x2760, s3;
	s12 =	sadd.s32 s2, s30;
	[dreg:$0x9] =	wrdreg s10  }
0xf: {  	s19 =	sadd.s32 $0x2F40, s3;
	s14 =	sadd.s32 s1, s13;
	[dreg:$0xa] =	wrdreg s12  }
0x10: {  	s22 =	sadd.s32 $0x3720, s3;
	s15 =	sadd.s32 s2, s9;
	[dreg:$0xb] =	wrdreg s14  }
0x11: {  	s17 =	sadd.s32 s1, s16;
	s18 =	sadd.s32 s2, s13;
	[dreg:$0xc] =	wrdreg s15  }
0x12: {  	s20 =	sadd.s32 s1, s19;
	s21 =	sadd.s32 s2, s16;
	[dreg:$0xd] =	wrdreg s17  }
0x13: {  	s23 =	sadd.s32 s1, s22;
	s24 =	sadd.s32 s2, s19;
	[dreg:$0xe] =	wrdreg s18  }
0x14: {  	s30 =	sadd.s32 s2, s22;
	s13 =	smul.u32 $0x1F800, s25;
	[dreg:$0xf] =	wrdreg s20  }
0x15: {  	s16 =	sadd.s32 $0x56A0, s3;
	s19 =	sadd.s32 $0x5E80, s3;
	[dreg:$0x10] =	wrdreg s21  }
0x16: {  	s22 =	sadd.s32 $0x6660, s3;
	s7 =	sadd.s32 $0x106000, s1;
	[dreg:$0x11] =	wrdreg s23  }
0x17: {  	s28 =	sadd.s32 $0x3F00, s3;
	s8 =	sshrl.u32 s0, $0x1;
	[dreg:$0x12] =	wrdreg s24  }
0x18: {  	s31 =	sadd.s32 $0x46E0, s3;
	[dreg:$0x14] =	wrdreg s30;
	s17 =	sadd.s32 s1, s16  }
0x19: {  	s12 =	sadd.s32 $0x4EC0, s3;
	s20 =	sadd.s32 s1, s19;
	[dreg:$0x19] =	wrdreg s17  }
0x1a: {  	s21 =	sadd.s32 s2, s16;
	s23 =	sshll.u32 s25, $0x6;
	[dreg:$0x1b] =	wrdreg s20  }
0x1b: {  	s24 =	sadd.s32 s1, s22;
	s29 =	sadd.s32 s1, s28;
	[dreg:$0x1c] =	wrdreg s21  }
0x1c: {  	s0 =	ssub.s32 s0, s8;
	s9 =	sadd.s32 s1, s31;
	[dreg:$0x1d] =	wrdreg s24  }
0x1d: {  	s10 =	sadd.s32 s2, s28;
	s14 =	sadd.s32 s1, s12;
	[dreg:$0x13] =	wrdreg s29  }
0x1e: {  	s15 =	sadd.s32 s2, s31;
	s8 =	sshrl.u32 s13, $0x2;
	[dreg:$0x15] =	wrdreg s9  }
0x1f: {  	s18 =	sadd.s32 s2, s12;
	s28 =	sadd.s32 s2, s19;
	[dreg:$0x16] =	wrdreg s10  }
0x20: {  	s31 =	sadd.s32 $0x7620, s3;
	s20 =	sadd.s32 s2, s22;
	[dreg:$0x17] =	wrdreg s14  }
0x21: {  	s17 =	simm.s32 $0x1;
	s21 =	simm.s32 $0x2;
	[dreg:$0x18] =	wrdreg s15  }
0x22: {  	s29 =	sadd.s32 $0x6E40, s3;
	s16 =	sadd.s32 s1, s31;
	s3 =	sadd.s32 $0x7E00, s3  }
0x23: {  	s0 =	smax.u32 s0, $0x1;
	s30 =	sadd.s32 s1, s29;
	s12 =	sadd.s32 s1, s3  }
0x24: {  	s9 =	sadd.s32 s2, s3;
	s3 =	sadd.s32 $0x106250, s1;
	s1 =	sadd.s32 $0xFFFFFFFF, s0  }
0x25: {  	s13 =	sadd.s32 s8, s4;
	[dreg:$0x1a] =	wrdreg s18;
	p2 =	sne.s32 s1, $0x0  }
.Ltmp0:
0x26: {  	s8 =	sor.u32 $0x1C01, s23;
	[dreg:$0x1e] =	wrdreg s28;
	(pc) =	sbr.rel @!p2 .LBB2_1-.Ltmp0, $4  }
0x27: {  	s10 =	sadd.s32 s2, s31;
	s4 =	sadd.s32 $0x106240, s2;
	s18 =	sshll.u32 @!p0 s25, $0x6  }
0x28: {  	s15 =	sadd.s32 $0x3F00, s13;
	s14 =	sadd.s32 s2, s29;
	s2 =	sadd.s32 $0x106250, s2  }
0x29: {  	s0 =	rddreg [dreg:$0x4];
	s22 =	sshrl.u32 s13, $0x3;
	s13 =	sshrl.u32 @!p0 s13, $0x3  }
0x2a: {  	[dreg:$0x1f] =	wrdreg s30;
	s19 =	sshrl.u32 s15, $0x3;
	s15 =	simm.s32 $0x4  }
0x2b: {  	[spmem:s22], [sflag:s8] =	dma.local [hbm:s0], $0x7E0  }
0x2c: {  	s24 =	sor.u32 $0x1C02, s23;
	s0 =	rddreg [dreg:$0x5]  }
0x2d: {  	[spmem:s19], [sflag:s24] =	dma.local [hbm:s0], $0x7E0  }
0x2e: {  	_ =	swait.ge [sflag:s17], $0x7E0  }
0x2f: {  	[sflag:s17] =	ssyncset.done $0x0  }
0x30: {  	s25 =	sor.u32 $0x1C03, s23;
	s26 =	rddreg [dreg:$0x6];
	[sflag:s17] =	ssyncadd.s32 $0xFFFFF820  }
0x31: {  	[hbm:s26], [sflag:s25] =	dma.local [spmem:s22], $0x7E0  }
0x32: {  	_ =	swait.ge [sflag:s11], $0x7E0  }
0x33: {  	[sflag:s11] =	ssyncset.done $0x0  }
0x34: {  	s26 =	rddreg [dreg:$0x7];
	[sflag:s11] =	ssyncadd.s32 $0xFFFFF820  }
0x35: {  	[spmem:s22], [sflag:s8] =	dma.local [hbm:s26], $0x7E0  }
0x36: {  	_ =	swait.ge [sflag:s21], $0x7E0  }
0x37: {  	[sflag:s21] =	ssyncset.done $0x0  }
0x38: {  	s26 =	sor.u32 $0x1C04, s23;
	s0 =	rddreg [dreg:$0x8];
	[sflag:s21] =	ssyncadd.s32 $0xFFFFF820  }
0x39: {  	[hbm:s0], [sflag:s26] =	dma.local [spmem:s19], $0x7E0  }
0x3a: {  	_ =	swait.ge [sflag:s15], $0x7E0  }
0x3b: {  	[sflag:s15] =	ssyncset.done $0x0  }
0x3c: {  	s0 =	rddreg [dreg:$0x9];
	[sflag:s15] =	ssyncadd.s32 $0xFFFFF820  }
0x3d: {  	[spmem:s19], [sflag:s24] =	dma.local [hbm:s0], $0x7E0  }
0x3e: {  	_ =	swait.ge [sflag:s17], $0x7E0  }
0x3f: {  	[sflag:s17] =	ssyncset.done $0x0  }
0x40: {  	s0 =	rddreg [dreg:$0xa];
	[sflag:s17] =	ssyncadd.s32 $0xFFFFF820  }
0x41: {  	[hbm:s0], [sflag:s25] =	dma.local [spmem:s22], $0x7E0  }
0x42: {  	_ =	swait.ge [sflag:s11], $0x7E0  }
0x43: {  	[sflag:s11] =	ssyncset.done $0x0  }
0x44: {  	s0 =	rddreg [dreg:$0xb];
	[sflag:s11] =	ssyncadd.s32 $0xFFFFF820  }
0x45: {  	[spmem:s22], [sflag:s8] =	dma.local [hbm:s0], $0x7E0  }
0x46: {  	_ =	swait.ge [sflag:s21], $0x7E0  }
0x47: {  	[sflag:s21] =	ssyncset.done $0x0  }
0x48: {  	s0 =	rddreg [dreg:$0xc];
	[sflag:s21] =	ssyncadd.s32 $0xFFFFF820  }
0x49: {  	[hbm:s0], [sflag:s26] =	dma.local [spmem:s19], $0x7E0  }
0x4a: {  	_ =	swait.ge [sflag:s15], $0x7E0  }
0x4b: {  	[sflag:s15] =	ssyncset.done $0x0  }
0x4c: {  	s0 =	rddreg [dreg:$0xd];
	[sflag:s15] =	ssyncadd.s32 $0xFFFFF820  }
0x4d: {  	[spmem:s19], [sflag:s24] =	dma.local [hbm:s0], $0x7E0  }
0x4e: {  	_ =	swait.ge [sflag:s17], $0x7E0  }
0x4f: {  	[sflag:s17] =	ssyncset.done $0x0  }
0x50: {  	s0 =	rddreg [dreg:$0xe];
	[sflag:s17] =	ssyncadd.s32 $0xFFFFF820  }
0x51: {  	[hbm:s0], [sflag:s25] =	dma.local [spmem:s22], $0x7E0  }
0x52: {  	_ =	swait.ge [sflag:s11], $0x7E0  }
0x53: {  	[sflag:s11] =	ssyncset.done $0x0  }
0x54: {  	s0 =	rddreg [dreg:$0xf];
	[sflag:s11] =	ssyncadd.s32 $0xFFFFF820  }
0x55: {  	[spmem:s22], [sflag:s8] =	dma.local [hbm:s0], $0x7E0  }
0x56: {  	_ =	swait.ge [sflag:s21], $0x7E0  }
0x57: {  	[sflag:s21] =	ssyncset.done $0x0  }
0x58: {  	s0 =	rddreg [dreg:$0x10];
	[sflag:s21] =	ssyncadd.s32 $0xFFFFF820  }
0x59: {  	[hbm:s0], [sflag:s26] =	dma.local [spmem:s19], $0x7E0  }
0x5a: {  	_ =	swait.ge [sflag:s15], $0x7E0  }
0x5b: {  	[sflag:s15] =	ssyncset.done $0x0  }
0x5c: {  	s0 =	rddreg [dreg:$0x11];
	[sflag:s15] =	ssyncadd.s32 $0xFFFFF820  }
0x5d: {  	[spmem:s19], [sflag:s24] =	dma.local [hbm:s0], $0x7E0  }
0x5e: {  	_ =	swait.ge [sflag:s17], $0x7E0  }
0x5f: {  	[sflag:s17] =	ssyncset.done $0x0  }
0x60: {  	s0 =	rddreg [dreg:$0x12];
	[sflag:s17] =	ssyncadd.s32 $0xFFFFF820  }
0x61: {  	[hbm:s0], [sflag:s25] =	dma.local [spmem:s22], $0x7E0  }
0x62: {  	_ =	swait.ge [sflag:s11], $0x7E0  }
0x63: {  	[sflag:s11] =	ssyncset.done $0x0  }
0x64: {  	s0 =	rddreg [dreg:$0x13];
	[sflag:s11] =	ssyncadd.s32 $0xFFFFF820  }
0x65: {  	[spmem:s22], [sflag:s8] =	dma.local [hbm:s0], $0x7E0  }
0x66: {  	_ =	swait.ge [sflag:s21], $0x7E0  }
0x67: {  	[sflag:s21] =	ssyncset.done $0x0  }
0x68: {  	s0 =	rddreg [dreg:$0x14];
	[sflag:s21] =	ssyncadd.s32 $0xFFFFF820  }
0x69: {  	[hbm:s0], [sflag:s26] =	dma.local [spmem:s19], $0x7E0  }
0x6a: {  	_ =	swait.ge [sflag:s15], $0x7E0  }
0x6b: {  	[sflag:s15] =	ssyncset.done $0x0  }
0x6c: {  	s0 =	rddreg [dreg:$0x15];
	[sflag:s15] =	ssyncadd.s32 $0xFFFFF820  }
0x6d: {  	[spmem:s19], [sflag:s24] =	dma.local [hbm:s0], $0x7E0  }
0x6e: {  	_ =	swait.ge [sflag:s17], $0x7E0  }
0x6f: {  	[sflag:s17] =	ssyncset.done $0x0  }
0x70: {  	s0 =	rddreg [dreg:$0x16];
	[sflag:s17] =	ssyncadd.s32 $0xFFFFF820  }
0x71: {  	[hbm:s0], [sflag:s25] =	dma.local [spmem:s22], $0x7E0  }
0x72: {  	_ =	swait.ge [sflag:s11], $0x7E0  }
0x73: {  	[sflag:s11] =	ssyncset.done $0x0  }
0x74: {  	s0 =	rddreg [dreg:$0x17];
	[sflag:s11] =	ssyncadd.s32 $0xFFFFF820  }
0x75: {  	[spmem:s22], [sflag:s8] =	dma.local [hbm:s0], $0x7E0  }
0x76: {  	_ =	swait.ge [sflag:s21], $0x7E0  }
0x77: {  	[sflag:s21] =	ssyncset.done $0x0  }
0x78: {  	s0 =	rddreg [dreg:$0x18];
	[sflag:s21] =	ssyncadd.s32 $0xFFFFF820  }
0x79: {  	[hbm:s0], [sflag:s26] =	dma.local [spmem:s19], $0x7E0  }
0x7a: {  	_ =	swait.ge [sflag:s15], $0x7E0  }
0x7b: {  	[sflag:s15] =	ssyncset.done $0x0  }
0x7c: {  	s0 =	rddreg [dreg:$0x19];
	[sflag:s15] =	ssyncadd.s32 $0xFFFFF820  }
0x7d: {  	[spmem:s19], [sflag:s24] =	dma.local [hbm:s0], $0x7E0  }
0x7e: {  	_ =	swait.ge [sflag:s17], $0x7E0  }
0x7f: {  	[sflag:s17] =	ssyncset.done $0x0  }
0x80: {  	s0 =	rddreg [dreg:$0x1a];
	[sflag:s17] =	ssyncadd.s32 $0xFFFFF820  }
0x81: {  	[hbm:s0], [sflag:s25] =	dma.local [spmem:s22], $0x7E0  }
0x82: {  	_ =	swait.ge [sflag:s11], $0x7E0  }
0x83: {  	[sflag:s11] =	ssyncset.done $0x0  }
0x84: {  	s0 =	rddreg [dreg:$0x1b];
	[sflag:s11] =	ssyncadd.s32 $0xFFFFF820  }
0x85: {  	[spmem:s22], [sflag:s8] =	dma.local [hbm:s0], $0x7E0  }
0x86: {  	_ =	swait.ge [sflag:s21], $0x7E0  }
0x87: {  	[sflag:s21] =	ssyncset.done $0x0  }
0x88: {  	s0 =	rddreg [dreg:$0x1c];
	[sflag:s21] =	ssyncadd.s32 $0xFFFFF820  }
0x89: {  	[hbm:s0], [sflag:s26] =	dma.local [spmem:s19], $0x7E0  }
0x8a: {  	_ =	swait.ge [sflag:s15], $0x7E0  }
0x8b: {  	[sflag:s15] =	ssyncset.done $0x0  }
0x8c: {  	s0 =	rddreg [dreg:$0x1d];
	[sflag:s15] =	ssyncadd.s32 $0xFFFFF820  }
0x8d: {  	[spmem:s19], [sflag:s24] =	dma.local [hbm:s0], $0x7E0  }
0x8e: {  	_ =	swait.ge [sflag:s17], $0x7E0  }
0x8f: {  	[sflag:s17] =	ssyncset.done $0x0  }
0x90: {  	s0 =	rddreg [dreg:$0x1e];
	[sflag:s17] =	ssyncadd.s32 $0xFFFFF820  }
0x91: {  	[hbm:s0], [sflag:s25] =	dma.local [spmem:s22], $0x7E0  }
0x92: {  	_ =	swait.ge [sflag:s11], $0x7E0  }
0x93: {  	[sflag:s11] =	ssyncset.done $0x0  }
0x94: {  	s0 =	rddreg [dreg:$0x1f];
	[sflag:s11] =	ssyncadd.s32 $0xFFFFF820  }
0x95: {  	[spmem:s22], [sflag:s8] =	dma.local [hbm:s0], $0x7E0  }
0x96: {  	_ =	swait.ge [sflag:s21], $0x7E0  }
0x97: {  	[sflag:s21] =	ssyncset.done $0x0  }
0x98: {  	[sflag:s21] =	ssyncadd.s32 $0xFFFFF820  }
0x99: {  	[hbm:s20], [sflag:s26] =	dma.local [spmem:s19], $0x7E0  }
0x9a: {  	_ =	swait.ge [sflag:s15], $0x7E0  }
0x9b: {  	[sflag:s15] =	ssyncset.done $0x0  }
0x9c: {  	[sflag:s15] =	ssyncadd.s32 $0xFFFFF820  }
0x9d: {  	[spmem:s19], [sflag:s24] =	dma.local [hbm:s16], $0x7E0  }
0x9e: {  	_ =	swait.ge [sflag:s17], $0x7E0  }
0x9f: {  	[sflag:s17] =	ssyncset.done $0x0  }
0xa0: {  	[sflag:s17] =	ssyncadd.s32 $0xFFFFF820  }
0xa1: {  	[hbm:s14], [sflag:s25] =	dma.local [spmem:s22], $0x7E0  }
0xa2: {  	_ =	swait.ge [sflag:s11], $0x7E0  }
0xa3: {  	[sflag:s11] =	ssyncset.done $0x0  }
0xa4: {  	[sflag:s11] =	ssyncadd.s32 $0xFFFFF820  }
0xa5: {  	[spmem:s22], [sflag:s8] =	dma.local [hbm:s12], $0x500  }
0xa6: {  	_ =	swait.ge [sflag:s21], $0x7E0  }
0xa7: {  	[sflag:s21] =	ssyncset.done $0x0  }
0xa8: {  	[sflag:s21] =	ssyncadd.s32 $0xFFFFF820  }
0xa9: {  	[hbm:s10], [sflag:s26] =	dma.local [spmem:s19], $0x7E0  }
0xaa: {  	_ =	swait.ge [sflag:s17], $0x500  }
0xab: {  	[sflag:s17] =	ssyncset.done $0x0  }
0xac: {  	[sflag:s17] =	ssyncadd.s32 $0xFFFFFB00  }
0xad: {  	[hbm:s9], [sflag:s25] =	dma.local [spmem:s22], $0x500  }
0xae: {  	_ =	swait.ge [sflag:s15], $0x7E0  }
0xaf: {  	[sflag:s15] =	ssyncset.done $0x0  }
0xb0: {  	[sflag:s15] =	ssyncadd.s32 $0xFFFFF820  }
0xb1: {  	_ =	swait.ge [sflag:s11], $0x500  }
0xb2: {  	[sflag:s11] =	ssyncset.done $0x0  }
0xb3: {  	s28 =	simm.s32 @!p0 $0x5;
	s29 =	sor.u32 @!p0 $0x1C05, s18;
	[sflag:s11] =	ssyncadd.s32 $0xFFFFFB00  }
0xb4: {  	[spmem:s13], [sflag:s29] =	dma.local @!p0 [hbm:s7], $0x240  }
0xb5: {  	_ =	swait.ge @!p0 [sflag:s28], $0x240  }
0xb6: {  	[sflag:s28] =	ssyncset.done @!p0 $0x0  }
0xb7: {  	[sflag:s28] =	ssyncadd.s32 @!p0 $0xFFFFFDC0  }
0xb8: {  	[hbm:s6], [sflag:s29] =	dma.local @!p0 [spmem:s13], $0x240  }
0xb9: {  	_ =	swait.ge @!p0 [sflag:s28], $0x240  }
0xba: {  	[sflag:s28] =	ssyncset.done @!p0 $0x0  }
0xbb: {  	s30 =	simm.s32 @!p0 $0x0;
	s31 =	simm.s32 @!p0 $0x7E00;
	[sflag:s28] =	ssyncadd.s32 @!p0 $0xFFFFFDC0  }
0xbc: {  	[tilespmem:s31], [sflag:$0x5] =	stream.linear.gather @!p0 [hbm4b:s5+s30], $0x80, $0x38;
	[tilespmem:$0x7E80] =	vst v63  }
0xbd: {  	_ =	swait.ge @!p0 [sflag:s28], $0x80  }
0xbe: {  	[sflag:s28] =	ssyncset.done @!p0 $0x0  }
0xbf: {  	[sflag:s28] =	ssyncadd.s32 @!p0 $0xFFFFFF80  }
0xc0: {  	[hbm4b:s4+s30] =	stream.linear.scatter @!p0 [tilespmem:s31], [sflag:$0x5], $0x80, $0x38;
	[tilespmem:$0x7E80] =	vst v63  }
0xc1: {  	_ =	swait.ge @!p0 [sflag:s28], $0x80  }
0xc2: {  	[sflag:s28] =	ssyncset.done @!p0 $0x0  }
0xc3: {  	s1 =	sadd.s32 $0xFFFFFFFF, s1;
	[sflag:s28] =	ssyncadd.s32 @!p0 $0xFFFFFF80  }
0xc4: {  	[tilespmem:s31], [sflag:$0x5] =	stream.linear.gather @!p0 [hbm4b:s3+s30], $0x80, $0x38;
	[tilespmem:$0x7E80] =	vst v63  }
0xc5: {  	p2 =	sne.s32 s1, $0x0;
	_ =	swait.ge @!p0 [sflag:s28], $0x80  }
.Ltmp1:
0xc6: {  	[sflag:s28] =	ssyncset.done @!p0 $0x0;
	(pc) =	sbr.rel @!p2 .LBB2_3-.Ltmp1, $4  }
0xc7: {  	[sflag:s28] =	ssyncadd.s32 @!p0 $0xFFFFFF80  }
0xc8: {  	[hbm4b:s2+s30] =	stream.linear.scatter @!p0 [tilespmem:s31], [sflag:$0x5], $0x80, $0x38;
	[tilespmem:$0x7E80] =	vst v63  }
0xc9: {  	_ =	swait.ge @!p0 [sflag:s28], $0x80  }
0xca: {  	p1 =	por $0x1, $0x1;
	s0 =	rddreg [dreg:$0x4];
	[sflag:s28] =	ssyncset.done @!p0 $0x0  }
.LBB2_4:
0xcb: {  	[sflag:s28] =	ssyncadd.s32 @!p0 $0xFFFFFF80  }
0xcc: {  	[spmem:s22], [sflag:s8] =	dma.local [hbm:s0], $0x7E0  }
0xcd: {  	s0 =	rddreg [dreg:$0x5]  }
0xce: {  	[spmem:s19], [sflag:s24] =	dma.local [hbm:s0], $0x7E0  }
0xcf: {  	_ =	swait.ge [sflag:s17], $0x7E0  }
0xd0: {  	[sflag:s17] =	ssyncset.done $0x0  }
0xd1: {  	s0 =	rddreg [dreg:$0x6];
	[sflag:s17] =	ssyncadd.s32 $0xFFFFF820  }
0xd2: {  	[hbm:s0], [sflag:s25] =	dma.local [spmem:s22], $0x7E0  }
0xd3: {  	_ =	swait.ge [sflag:s11], $0x7E0  }
0xd4: {  	[sflag:s11] =	ssyncset.done $0x0  }
0xd5: {  	s0 =	rddreg [dreg:$0x7];
	[sflag:s11] =	ssyncadd.s32 $0xFFFFF820  }
0xd6: {  	[spmem:s22], [sflag:s8] =	dma.local [hbm:s0], $0x7E0  }
0xd7: {  	_ =	swait.ge [sflag:s21], $0x7E0  }
0xd8: {  	[sflag:s21] =	ssyncset.done $0x0  }
0xd9: {  	s0 =	rddreg [dreg:$0x8];
	[sflag:s21] =	ssyncadd.s32 $0xFFFFF820  }
0xda: {  	[hbm:s0], [sflag:s26] =	dma.local [spmem:s19], $0x7E0  }
0xdb: {  	_ =	swait.ge [sflag:s15], $0x7E0  }
0xdc: {  	[sflag:s15] =	ssyncset.done $0x0  }
0xdd: {  	s0 =	rddreg [dreg:$0x9];
	[sflag:s15] =	ssyncadd.s32 $0xFFFFF820  }
0xde: {  	[spmem:s19], [sflag:s24] =	dma.local [hbm:s0], $0x7E0  }
0xdf: {  	_ =	swait.ge [sflag:s17], $0x7E0  }
0xe0: {  	[sflag:s17] =	ssyncset.done $0x0  }
0xe1: {  	s0 =	rddreg [dreg:$0xa];
	[sflag:s17] =	ssyncadd.s32 $0xFFFFF820  }
0xe2: {  	[hbm:s0], [sflag:s25] =	dma.local [spmem:s22], $0x7E0  }
0xe3: {  	_ =	swait.ge [sflag:s11], $0x7E0  }
0xe4: {  	[sflag:s11] =	ssyncset.done $0x0  }
0xe5: {  	s0 =	rddreg [dreg:$0xb];
	[sflag:s11] =	ssyncadd.s32 $0xFFFFF820  }
0xe6: {  	[spmem:s22], [sflag:s8] =	dma.local [hbm:s0], $0x7E0  }
0xe7: {  	_ =	swait.ge [sflag:s21], $0x7E0  }
0xe8: {  	[sflag:s21] =	ssyncset.done $0x0  }
0xe9: {  	s0 =	rddreg [dreg:$0xc];
	[sflag:s21] =	ssyncadd.s32 $0xFFFFF820  }
0xea: {  	[hbm:s0], [sflag:s26] =	dma.local [spmem:s19], $0x7E0  }
0xeb: {  	_ =	swait.ge [sflag:s15], $0x7E0  }
0xec: {  	[sflag:s15] =	ssyncset.done $0x0  }
0xed: {  	s0 =	rddreg [dreg:$0xd];
	[sflag:s15] =	ssyncadd.s32 $0xFFFFF820  }
0xee: {  	[spmem:s19], [sflag:s24] =	dma.local [hbm:s0], $0x7E0  }
0xef: {  	_ =	swait.ge [sflag:s17], $0x7E0  }
0xf0: {  	[sflag:s17] =	ssyncset.done $0x0  }
0xf1: {  	s0 =	rddreg [dreg:$0xe];
	[sflag:s17] =	ssyncadd.s32 $0xFFFFF820  }
0xf2: {  	[hbm:s0], [sflag:s25] =	dma.local [spmem:s22], $0x7E0  }
0xf3: {  	_ =	swait.ge [sflag:s11], $0x7E0  }
0xf4: {  	[sflag:s11] =	ssyncset.done $0x0  }
0xf5: {  	s0 =	rddreg [dreg:$0xf];
	[sflag:s11] =	ssyncadd.s32 $0xFFFFF820  }
0xf6: {  	[spmem:s22], [sflag:s8] =	dma.local [hbm:s0], $0x7E0  }
0xf7: {  	_ =	swait.ge [sflag:s21], $0x7E0  }
0xf8: {  	[sflag:s21] =	ssyncset.done $0x0  }
0xf9: {  	s0 =	rddreg [dreg:$0x10];
	[sflag:s21] =	ssyncadd.s32 $0xFFFFF820  }
0xfa: {  	[hbm:s0], [sflag:s26] =	dma.local [spmem:s19], $0x7E0  }
0xfb: {  	_ =	swait.ge [sflag:s15], $0x7E0  }
0xfc: {  	[sflag:s15] =	ssyncset.done $0x0  }
0xfd: {  	s0 =	rddreg [dreg:$0x11];
	[sflag:s15] =	ssyncadd.s32 $0xFFFFF820  }
0xfe: {  	[spmem:s19], [sflag:s24] =	dma.local [hbm:s0], $0x7E0  }
0xff: {  	_ =	swait.ge [sflag:s17], $0x7E0  }
0x100: {  	[sflag:s17] =	ssyncset.done $0x0  }
0x101: {  	s0 =	rddreg [dreg:$0x12];
	[sflag:s17] =	ssyncadd.s32 $0xFFFFF820  }
0x102: {  	[hbm:s0], [sflag:s25] =	dma.local [spmem:s22], $0x7E0  }
0x103: {  	_ =	swait.ge [sflag:s11], $0x7E0  }
0x104: {  	[sflag:s11] =	ssyncset.done $0x0  }
0x105: {  	s0 =	rddreg [dreg:$0x13];
	[sflag:s11] =	ssyncadd.s32 $0xFFFFF820  }
0x106: {  	[spmem:s22], [sflag:s8] =	dma.local [hbm:s0], $0x7E0  }
0x107: {  	_ =	swait.ge [sflag:s21], $0x7E0  }
0x108: {  	[sflag:s21] =	ssyncset.done $0x0  }
0x109: {  	s0 =	rddreg [dreg:$0x14];
	[sflag:s21] =	ssyncadd.s32 $0xFFFFF820  }
0x10a: {  	[hbm:s0], [sflag:s26] =	dma.local [spmem:s19], $0x7E0  }
0x10b: {  	_ =	swait.ge [sflag:s15], $0x7E0  }
0x10c: {  	[sflag:s15] =	ssyncset.done $0x0  }
0x10d: {  	s0 =	rddreg [dreg:$0x15];
	[sflag:s15] =	ssyncadd.s32 $0xFFFFF820  }
0x10e: {  	[spmem:s19], [sflag:s24] =	dma.local [hbm:s0], $0x7E0  }
0x10f: {  	_ =	swait.ge [sflag:s17], $0x7E0  }
0x110: {  	[sflag:s17] =	ssyncset.done $0x0  }
0x111: {  	s0 =	rddreg [dreg:$0x16];
	[sflag:s17] =	ssyncadd.s32 $0xFFFFF820  }
0x112: {  	[hbm:s0], [sflag:s25] =	dma.local [spmem:s22], $0x7E0  }
0x113: {  	_ =	swait.ge [sflag:s11], $0x7E0  }
0x114: {  	[sflag:s11] =	ssyncset.done $0x0  }
0x115: {  	s0 =	rddreg [dreg:$0x17];
	[sflag:s11] =	ssyncadd.s32 $0xFFFFF820  }
0x116: {  	[spmem:s22], [sflag:s8] =	dma.local [hbm:s0], $0x7E0  }
0x117: {  	_ =	swait.ge [sflag:s21], $0x7E0  }
0x118: {  	[sflag:s21] =	ssyncset.done $0x0  }
0x119: {  	s0 =	rddreg [dreg:$0x18];
	[sflag:s21] =	ssyncadd.s32 $0xFFFFF820  }
0x11a: {  	[hbm:s0], [sflag:s26] =	dma.local [spmem:s19], $0x7E0  }
0x11b: {  	_ =	swait.ge [sflag:s15], $0x7E0  }
0x11c: {  	[sflag:s15] =	ssyncset.done $0x0  }
0x11d: {  	s0 =	rddreg [dreg:$0x19];
	[sflag:s15] =	ssyncadd.s32 $0xFFFFF820  }
0x11e: {  	[spmem:s19], [sflag:s24] =	dma.local [hbm:s0], $0x7E0  }
0x11f: {  	_ =	swait.ge [sflag:s17], $0x7E0  }
0x120: {  	[sflag:s17] =	ssyncset.done $0x0  }
0x121: {  	s0 =	rddreg [dreg:$0x1a];
	[sflag:s17] =	ssyncadd.s32 $0xFFFFF820  }
0x122: {  	[hbm:s0], [sflag:s25] =	dma.local [spmem:s22], $0x7E0  }
0x123: {  	_ =	swait.ge [sflag:s11], $0x7E0  }
0x124: {  	[sflag:s11] =	ssyncset.done $0x0  }
0x125: {  	s0 =	rddreg [dreg:$0x1b];
	[sflag:s11] =	ssyncadd.s32 $0xFFFFF820  }
0x126: {  	[spmem:s22], [sflag:s8] =	dma.local [hbm:s0], $0x7E0  }
0x127: {  	_ =	swait.ge [sflag:s21], $0x7E0  }
0x128: {  	[sflag:s21] =	ssyncset.done $0x0  }
0x129: {  	s0 =	rddreg [dreg:$0x1c];
	[sflag:s21] =	ssyncadd.s32 $0xFFFFF820  }
0x12a: {  	[hbm:s0], [sflag:s26] =	dma.local [spmem:s19], $0x7E0  }
0x12b: {  	_ =	swait.ge [sflag:s15], $0x7E0  }
0x12c: {  	[sflag:s15] =	ssyncset.done $0x0  }
0x12d: {  	s0 =	rddreg [dreg:$0x1d];
	[sflag:s15] =	ssyncadd.s32 $0xFFFFF820  }
0x12e: {  	[spmem:s19], [sflag:s24] =	dma.local [hbm:s0], $0x7E0  }
0x12f: {  	_ =	swait.ge [sflag:s17], $0x7E0  }
0x130: {  	[sflag:s17] =	ssyncset.done $0x0  }
0x131: {  	s0 =	rddreg [dreg:$0x1e];
	[sflag:s17] =	ssyncadd.s32 $0xFFFFF820  }
0x132: {  	[hbm:s0], [sflag:s25] =	dma.local [spmem:s22], $0x7E0  }
0x133: {  	_ =	swait.ge [sflag:s11], $0x7E0  }
0x134: {  	[sflag:s11] =	ssyncset.done $0x0  }
0x135: {  	s0 =	rddreg [dreg:$0x1f];
	[sflag:s11] =	ssyncadd.s32 $0xFFFFF820  }
0x136: {  	[spmem:s22], [sflag:s8] =	dma.local [hbm:s0], $0x7E0  }
0x137: {  	_ =	swait.ge [sflag:s21], $0x7E0  }
0x138: {  	[sflag:s21] =	ssyncset.done $0x0  }
0x139: {  	[sflag:s21] =	ssyncadd.s32 $0xFFFFF820  }
0x13a: {  	[hbm:s20], [sflag:s26] =	dma.local [spmem:s19], $0x7E0  }
0x13b: {  	_ =	swait.ge [sflag:s15], $0x7E0  }
0x13c: {  	[sflag:s15] =	ssyncset.done $0x0  }
0x13d: {  	[sflag:s15] =	ssyncadd.s32 $0xFFFFF820  }
0x13e: {  	[spmem:s19], [sflag:s24] =	dma.local [hbm:s16], $0x7E0  }
0x13f: {  	_ =	swait.ge [sflag:s17], $0x7E0  }
0x140: {  	[sflag:s17] =	ssyncset.done $0x0  }
0x141: {  	[sflag:s17] =	ssyncadd.s32 $0xFFFFF820  }
0x142: {  	[hbm:s14], [sflag:s25] =	dma.local [spmem:s22], $0x7E0  }
0x143: {  	_ =	swait.ge [sflag:s11], $0x7E0  }
0x144: {  	[sflag:s11] =	ssyncset.done $0x0  }
0x145: {  	[sflag:s11] =	ssyncadd.s32 $0xFFFFF820  }
0x146: {  	[spmem:s22], [sflag:s8] =	dma.local [hbm:s12], $0x500  }
0x147: {  	_ =	swait.ge [sflag:s21], $0x7E0  }
0x148: {  	[sflag:s21] =	ssyncset.done $0x0  }
0x149: {  	[sflag:s21] =	ssyncadd.s32 $0xFFFFF820  }
0x14a: {  	[hbm:s10], [sflag:s26] =	dma.local [spmem:s19], $0x7E0  }
0x14b: {  	_ =	swait.ge [sflag:s17], $0x500  }
0x14c: {  	[sflag:s17] =	ssyncset.done $0x0  }
0x14d: {  	[sflag:s17] =	ssyncadd.s32 $0xFFFFFB00  }
0x14e: {  	[hbm:s9], [sflag:s25] =	dma.local [spmem:s22], $0x500  }
0x14f: {  	_ =	swait.ge [sflag:s15], $0x7E0  }
0x150: {  	[sflag:s15] =	ssyncset.done $0x0  }
0x151: {  	[sflag:s15] =	ssyncadd.s32 $0xFFFFF820  }
0x152: {  	_ =	swait.ge [sflag:s11], $0x500  }
0x153: {  	[sflag:s11] =	ssyncset.done $0x0  }
0x154: {  	[sflag:s11] =	ssyncadd.s32 $0xFFFFFB00  }
0x155: {  	[spmem:s13], [sflag:s29] =	dma.local @!p0 [hbm:s7], $0x240  }
0x156: {  	_ =	swait.ge @!p0 [sflag:s28], $0x240  }
0x157: {  	[sflag:s28] =	ssyncset.done @!p0 $0x0  }
0x158: {  	[sflag:s28] =	ssyncadd.s32 @!p0 $0xFFFFFDC0  }
0x159: {  	[hbm:s6], [sflag:s29] =	dma.local @!p0 [spmem:s13], $0x240  }
0x15a: {  	_ =	swait.ge @!p0 [sflag:s28], $0x240  }
0x15b: {  	[sflag:s28] =	ssyncset.done @!p0 $0x0  }
0x15c: {  	[sflag:s28] =	ssyncadd.s32 @!p0 $0xFFFFFDC0  }
0x15d: {  	[tilespmem:s31], [sflag:$0x5] =	stream.linear.gather @!p0 [hbm4b:s5+s30], $0x80, $0x38;
	[tilespmem:$0x7E80] =	vst v63  }
0x15e: {  	_ =	swait.ge @!p0 [sflag:s28], $0x80  }
0x15f: {  	[sflag:s28] =	ssyncset.done @!p0 $0x0  }
0x160: {  	[sflag:s28] =	ssyncadd.s32 @!p0 $0xFFFFFF80  }
0x161: {  	[hbm4b:s4+s30] =	stream.linear.scatter @!p0 [tilespmem:s31], [sflag:$0x5], $0x80, $0x38;
	[tilespmem:$0x7E80] =	vst v63  }
0x162: {  	_ =	swait.ge @!p0 [sflag:s28], $0x80  }
0x163: {  	[sflag:s28] =	ssyncset.done @!p0 $0x0  }
0x164: {  	s1 =	sadd.s32 $0xFFFFFFFF, s1;
	[sflag:s28] =	ssyncadd.s32 @!p0 $0xFFFFFF80  }
0x165: {  	[tilespmem:s31], [sflag:$0x5] =	stream.linear.gather @!p0 [hbm4b:s3+s30], $0x80, $0x38;
	[tilespmem:$0x7E80] =	vst v63  }
0x166: {  	p2 =	sne.s32 s1, $0x0;
	_ =	swait.ge @!p0 [sflag:s28], $0x80  }
.Ltmp2:
0x167: {  	[sflag:s28] =	ssyncset.done @!p0 $0x0;
	(pc) =	sbr.rel @p2 .LBB2_4-.Ltmp2, $4  }
0x168: {  	[sflag:s28] =	ssyncadd.s32 @!p0 $0xFFFFFF80  }
0x169: {  	[hbm4b:s2+s30] =	stream.linear.scatter @!p0 [tilespmem:s31], [sflag:$0x5], $0x80, $0x38;
	[tilespmem:$0x7E80] =	vst v63  }
0x16a: {  	_ =	swait.ge @!p0 [sflag:s28], $0x80  }
0x16b: {  	s0 =	rddreg [dreg:$0x4];
	[sflag:s28] =	ssyncset.done @!p0 $0x0  }
0x16c: {  	s25 =	stileid.u32;
	s26 =	rddreg [dreg:$0x3]  }
.LBB2_6:
0x16d: {  	p1 =	por p0, !p1  }
0x16e: {  	[sflag:s28] =	ssyncadd.s32 @!p1 $0xFFFFFF80  }
0x16f: {  	[spmem:s22], [sflag:s8] =	dma.local [hbm:s0], $0x7E0  }
0x170: {  	s24 =	sor.u32 $0x1C02, s23;
	s0 =	rddreg [dreg:$0x5]  }
0x171: {  	[spmem:s19], [sflag:s24] =	dma.local [hbm:s0], $0x7E0  }
0x172: {  	_ =	swait.ge [sflag:s17], $0x7E0  }
0x173: {  	[sflag:s17] =	ssyncset.done $0x0  }
0x174: {  	s1 =	sor.u32 $0x1C03, s23;
	s30 =	rddreg [dreg:$0x6];
	[sflag:s17] =	ssyncadd.s32 $0xFFFFF820  }
0x175: {  	[hbm:s30], [sflag:s1] =	dma.local [spmem:s22], $0x7E0  }
0x176: {  	_ =	swait.ge [sflag:s11], $0x7E0  }
0x177: {  	[sflag:s11] =	ssyncset.done $0x0  }
0x178: {  	s31 =	rddreg [dreg:$0x7];
	[sflag:s11] =	ssyncadd.s32 $0xFFFFF820  }
0x179: {  	[spmem:s22], [sflag:s8] =	dma.local [hbm:s31], $0x7E0  }
0x17a: {  	_ =	swait.ge [sflag:s21], $0x7E0  }
0x17b: {  	[sflag:s21] =	ssyncset.done $0x0  }
0x17c: {  	s23 =	sor.u32 $0x1C04, s23;
	s28 =	rddreg [dreg:$0x8];
	[sflag:s21] =	ssyncadd.s32 $0xFFFFF820  }
0x17d: {  	[hbm:s28], [sflag:s23] =	dma.local [spmem:s19], $0x7E0  }
0x17e: {  	_ =	swait.ge [sflag:s15], $0x7E0  }
0x17f: {  	[sflag:s15] =	ssyncset.done $0x0  }
0x180: {  	s29 =	rddreg [dreg:$0x9];
	[sflag:s15] =	ssyncadd.s32 $0xFFFFF820  }
0x181: {  	[spmem:s19], [sflag:s24] =	dma.local [hbm:s29], $0x7E0  }
0x182: {  	_ =	swait.ge [sflag:s17], $0x7E0  }
0x183: {  	[sflag:s17] =	ssyncset.done $0x0  }
0x184: {  	s30 =	rddreg [dreg:$0xa];
	[sflag:s17] =	ssyncadd.s32 $0xFFFFF820  }
0x185: {  	[hbm:s30], [sflag:s1] =	dma.local [spmem:s22], $0x7E0  }
0x186: {  	_ =	swait.ge [sflag:s11], $0x7E0  }
0x187: {  	[sflag:s11] =	ssyncset.done $0x0  }
0x188: {  	s31 =	rddreg [dreg:$0xb];
	[sflag:s11] =	ssyncadd.s32 $0xFFFFF820  }
0x189: {  	[spmem:s22], [sflag:s8] =	dma.local [hbm:s31], $0x7E0  }
0x18a: {  	_ =	swait.ge [sflag:s21], $0x7E0  }
0x18b: {  	[sflag:s21] =	ssyncset.done $0x0  }
0x18c: {  	s28 =	rddreg [dreg:$0xc];
	[sflag:s21] =	ssyncadd.s32 $0xFFFFF820  }
0x18d: {  	[hbm:s28], [sflag:s23] =	dma.local [spmem:s19], $0x7E0  }
0x18e: {  	_ =	swait.ge [sflag:s15], $0x7E0  }
0x18f: {  	[sflag:s15] =	ssyncset.done $0x0  }
0x190: {  	s29 =	rddreg [dreg:$0xd];
	[sflag:s15] =	ssyncadd.s32 $0xFFFFF820  }
0x191: {  	[spmem:s19], [sflag:s24] =	dma.local [hbm:s29], $0x7E0  }
0x192: {  	_ =	swait.ge [sflag:s17], $0x7E0  }
0x193: {  	[sflag:s17] =	ssyncset.done $0x0  }
0x194: {  	s30 =	rddreg [dreg:$0xe];
	[sflag:s17] =	ssyncadd.s32 $0xFFFFF820  }
0x195: {  	[hbm:s30], [sflag:s1] =	dma.local [spmem:s22], $0x7E0  }
0x196: {  	_ =	swait.ge [sflag:s11], $0x7E0  }
0x197: {  	[sflag:s11] =	ssyncset.done $0x0  }
0x198: {  	s31 =	rddreg [dreg:$0xf];
	[sflag:s11] =	ssyncadd.s32 $0xFFFFF820  }
0x199: {  	[spmem:s22], [sflag:s8] =	dma.local [hbm:s31], $0x7E0  }
0x19a: {  	_ =	swait.ge [sflag:s21], $0x7E0  }
0x19b: {  	[sflag:s21] =	ssyncset.done $0x0  }
0x19c: {  	s28 =	rddreg [dreg:$0x10];
	[sflag:s21] =	ssyncadd.s32 $0xFFFFF820  }
0x19d: {  	[hbm:s28], [sflag:s23] =	dma.local [spmem:s19], $0x7E0  }
0x19e: {  	_ =	swait.ge [sflag:s15], $0x7E0  }
0x19f: {  	[sflag:s15] =	ssyncset.done $0x0  }
0x1a0: {  	s29 =	rddreg [dreg:$0x11];
	[sflag:s15] =	ssyncadd.s32 $0xFFFFF820  }
0x1a1: {  	[spmem:s19], [sflag:s24] =	dma.local [hbm:s29], $0x7E0  }
0x1a2: {  	_ =	swait.ge [sflag:s17], $0x7E0  }
0x1a3: {  	[sflag:s17] =	ssyncset.done $0x0  }
0x1a4: {  	s30 =	rddreg [dreg:$0x12];
	[sflag:s17] =	ssyncadd.s32 $0xFFFFF820  }
0x1a5: {  	[hbm:s30], [sflag:s1] =	dma.local [spmem:s22], $0x7E0  }
0x1a6: {  	_ =	swait.ge [sflag:s11], $0x7E0  }
0x1a7: {  	[sflag:s11] =	ssyncset.done $0x0  }
0x1a8: {  	s31 =	rddreg [dreg:$0x13];
	[sflag:s11] =	ssyncadd.s32 $0xFFFFF820  }
0x1a9: {  	[spmem:s22], [sflag:s8] =	dma.local [hbm:s31], $0x7E0  }
0x1aa: {  	_ =	swait.ge [sflag:s21], $0x7E0  }
0x1ab: {  	[sflag:s21] =	ssyncset.done $0x0  }
0x1ac: {  	s28 =	rddreg [dreg:$0x14];
	[sflag:s21] =	ssyncadd.s32 $0xFFFFF820  }
0x1ad: {  	[hbm:s28], [sflag:s23] =	dma.local [spmem:s19], $0x7E0  }
0x1ae: {  	_ =	swait.ge [sflag:s15], $0x7E0  }
0x1af: {  	[sflag:s15] =	ssyncset.done $0x0  }
0x1b0: {  	s29 =	rddreg [dreg:$0x15];
	[sflag:s15] =	ssyncadd.s32 $0xFFFFF820  }
0x1b1: {  	[spmem:s19], [sflag:s24] =	dma.local [hbm:s29], $0x7E0  }
0x1b2: {  	_ =	swait.ge [sflag:s17], $0x7E0  }
0x1b3: {  	[sflag:s17] =	ssyncset.done $0x0  }
0x1b4: {  	s30 =	rddreg [dreg:$0x16];
	[sflag:s17] =	ssyncadd.s32 $0xFFFFF820  }
0x1b5: {  	[hbm:s30], [sflag:s1] =	dma.local [spmem:s22], $0x7E0  }
0x1b6: {  	_ =	swait.ge [sflag:s11], $0x7E0  }
0x1b7: {  	[sflag:s11] =	ssyncset.done $0x0  }
0x1b8: {  	s31 =	rddreg [dreg:$0x17];
	[sflag:s11] =	ssyncadd.s32 $0xFFFFF820  }
0x1b9: {  	[spmem:s22], [sflag:s8] =	dma.local [hbm:s31], $0x7E0  }
0x1ba: {  	_ =	swait.ge [sflag:s21], $0x7E0  }
0x1bb: {  	[sflag:s21] =	ssyncset.done $0x0  }
0x1bc: {  	s28 =	rddreg [dreg:$0x18];
	[sflag:s21] =	ssyncadd.s32 $0xFFFFF820  }
0x1bd: {  	[hbm:s28], [sflag:s23] =	dma.local [spmem:s19], $0x7E0  }
0x1be: {  	_ =	swait.ge [sflag:s15], $0x7E0  }
0x1bf: {  	[sflag:s15] =	ssyncset.done $0x0  }
0x1c0: {  	s29 =	rddreg [dreg:$0x19];
	[sflag:s15] =	ssyncadd.s32 $0xFFFFF820  }
0x1c1: {  	[spmem:s19], [sflag:s24] =	dma.local [hbm:s29], $0x7E0  }
0x1c2: {  	_ =	swait.ge [sflag:s17], $0x7E0  }
0x1c3: {  	[sflag:s17] =	ssyncset.done $0x0  }
0x1c4: {  	s30 =	rddreg [dreg:$0x1a];
	[sflag:s17] =	ssyncadd.s32 $0xFFFFF820  }
0x1c5: {  	[hbm:s30], [sflag:s1] =	dma.local [spmem:s22], $0x7E0  }
0x1c6: {  	_ =	swait.ge [sflag:s11], $0x7E0  }
0x1c7: {  	[sflag:s11] =	ssyncset.done $0x0  }
0x1c8: {  	s31 =	rddreg [dreg:$0x1b];
	[sflag:s11] =	ssyncadd.s32 $0xFFFFF820  }
0x1c9: {  	[spmem:s22], [sflag:s8] =	dma.local [hbm:s31], $0x7E0  }
0x1ca: {  	_ =	swait.ge [sflag:s21], $0x7E0  }
0x1cb: {  	[sflag:s21] =	ssyncset.done $0x0  }
0x1cc: {  	s28 =	rddreg [dreg:$0x1c];
	[sflag:s21] =	ssyncadd.s32 $0xFFFFF820  }
0x1cd: {  	[hbm:s28], [sflag:s23] =	dma.local [spmem:s19], $0x7E0  }
0x1ce: {  	_ =	swait.ge [sflag:s15], $0x7E0  }
0x1cf: {  	[sflag:s15] =	ssyncset.done $0x0  }
0x1d0: {  	s29 =	rddreg [dreg:$0x1d];
	[sflag:s15] =	ssyncadd.s32 $0xFFFFF820  }
0x1d1: {  	[spmem:s19], [sflag:s24] =	dma.local [hbm:s29], $0x7E0  }
0x1d2: {  	_ =	swait.ge [sflag:s17], $0x7E0  }
0x1d3: {  	[sflag:s17] =	ssyncset.done $0x0  }
0x1d4: {  	s30 =	rddreg [dreg:$0x1e];
	[sflag:s17] =	ssyncadd.s32 $0xFFFFF820  }
0x1d5: {  	[hbm:s30], [sflag:s1] =	dma.local [spmem:s22], $0x7E0  }
0x1d6: {  	_ =	swait.ge [sflag:s11], $0x7E0  }
0x1d7: {  	[sflag:s11] =	ssyncset.done $0x0  }
0x1d8: {  	s31 =	rddreg [dreg:$0x1f];
	[sflag:s11] =	ssyncadd.s32 $0xFFFFF820  }
0x1d9: {  	[spmem:s22], [sflag:s8] =	dma.local [hbm:s31], $0x7E0  }
0x1da: {  	_ =	swait.ge [sflag:s21], $0x7E0  }
0x1db: {  	[sflag:s21] =	ssyncset.done $0x0  }
0x1dc: {  	[sflag:s21] =	ssyncadd.s32 $0xFFFFF820  }
0x1dd: {  	[hbm:s20], [sflag:s23] =	dma.local [spmem:s19], $0x7E0  }
0x1de: {  	_ =	swait.ge [sflag:s15], $0x7E0  }
0x1df: {  	[sflag:s15] =	ssyncset.done $0x0  }
0x1e0: {  	[sflag:s15] =	ssyncadd.s32 $0xFFFFF820  }
0x1e1: {  	[spmem:s19], [sflag:s24] =	dma.local [hbm:s16], $0x7E0  }
0x1e2: {  	_ =	swait.ge [sflag:s17], $0x7E0  }
0x1e3: {  	[sflag:s17] =	ssyncset.done $0x0  }
0x1e4: {  	[sflag:s17] =	ssyncadd.s32 $0xFFFFF820  }
0x1e5: {  	[hbm:s14], [sflag:s1] =	dma.local [spmem:s22], $0x7E0  }
0x1e6: {  	_ =	swait.ge [sflag:s11], $0x7E0  }
0x1e7: {  	[sflag:s11] =	ssyncset.done $0x0  }
0x1e8: {  	[sflag:s11] =	ssyncadd.s32 $0xFFFFF820  }
0x1e9: {  	[spmem:s22], [sflag:s8] =	dma.local [hbm:s12], $0x500  }
0x1ea: {  	_ =	swait.ge [sflag:s21], $0x7E0  }
0x1eb: {  	[sflag:s21] =	ssyncset.done $0x0  }
0x1ec: {  	[sflag:s21] =	ssyncadd.s32 $0xFFFFF820  }
0x1ed: {  	[hbm:s10], [sflag:s23] =	dma.local [spmem:s19], $0x7E0  }
0x1ee: {  	_ =	swait.ge [sflag:s17], $0x500  }
0x1ef: {  	[sflag:s17] =	ssyncset.done $0x0  }
0x1f0: {  	[sflag:s17] =	ssyncadd.s32 $0xFFFFFB00  }
0x1f1: {  	[hbm:s9], [sflag:s1] =	dma.local [spmem:s22], $0x500  }
0x1f2: {  	_ =	swait.ge [sflag:s15], $0x7E0  }
0x1f3: {  	[sflag:s15] =	ssyncset.done $0x0  }
0x1f4: {  	[sflag:s15] =	ssyncadd.s32 $0xFFFFF820  }
0x1f5: {  	_ =	swait.ge [sflag:s11], $0x500  }
0x1f6: {  	[sflag:s11] =	ssyncset.done $0x0  }
0x1f7: {  	s0 =	sor.u32 @!p0 $0x1C05, s18;
	s1 =	simm.s32 @!p0 $0x5;
	[sflag:s11] =	ssyncadd.s32 $0xFFFFFB00  }
0x1f8: {  	[spmem:s13], [sflag:s0] =	dma.local @!p0 [hbm:s7], $0x240  }
0x1f9: {  	_ =	swait.ge @!p0 [sflag:s1], $0x240  }
0x1fa: {  	[sflag:s1] =	ssyncset.done @!p0 $0x0  }
0x1fb: {  	[sflag:s1] =	ssyncadd.s32 @!p0 $0xFFFFFDC0  }
0x1fc: {  	[hbm:s6], [sflag:s0] =	dma.local @!p0 [spmem:s13], $0x240  }
0x1fd: {  	_ =	swait.ge @!p0 [sflag:s1], $0x240  }
0x1fe: {  	[sflag:s1] =	ssyncset.done @!p0 $0x0  }
0x1ff: {  	s0 =	simm.s32 @!p0 $0x0;
	s6 =	simm.s32 @!p0 $0x7E00;
	[sflag:s1] =	ssyncadd.s32 @!p0 $0xFFFFFDC0  }
0x200: {  	[tilespmem:s6], [sflag:$0x5] =	stream.linear.gather @!p0 [hbm4b:s5+s0], $0x80, $0x38;
	[tilespmem:$0x7E80] =	vst v63  }
0x201: {  	_ =	swait.ge @!p0 [sflag:s1], $0x80  }
0x202: {  	[sflag:s1] =	ssyncset.done @!p0 $0x0  }
0x203: {  	[sflag:s1] =	ssyncadd.s32 @!p0 $0xFFFFFF80  }
0x204: {  	[hbm4b:s4+s0] =	stream.linear.scatter @!p0 [tilespmem:s6], [sflag:$0x5], $0x80, $0x38;
	[tilespmem:$0x7E80] =	vst v63  }
0x205: {  	_ =	swait.ge @!p0 [sflag:s1], $0x80  }
0x206: {  	[sflag:s1] =	ssyncset.done @!p0 $0x0  }
0x207: {  	[sflag:s1] =	ssyncadd.s32 @!p0 $0xFFFFFF80  }
0x208: {  	[tilespmem:s6], [sflag:$0x5] =	stream.linear.gather @!p0 [hbm4b:s3+s0], $0x80, $0x38;
	[tilespmem:$0x7E80] =	vst v63  }
0x209: {  	_ =	swait.ge @!p0 [sflag:s1], $0x80  }
0x20a: {  	[sflag:s1] =	ssyncset.done @!p0 $0x0  }
0x20b: {  	[sflag:s1] =	ssyncadd.s32 @!p0 $0xFFFFFF80  }
0x20c: {  	[hbm4b:s2+s0] =	stream.linear.scatter @!p0 [tilespmem:s6], [sflag:$0x5], $0x80, $0x38;
	[tilespmem:$0x7E80] =	vst v63  }
0x20d: {  	_ =	swait.ge @!p0 [sflag:s1], $0x80  }
0x20e: {  	[sflag:s1] =	ssyncset.done @!p0 $0x0  }
0x20f: {  	[sflag:s1] =	ssyncadd.s32 @!p0 $0xFFFFFF80  }
0x210: {  	_ =	sfence.sel $0x180000  }
0x211: {  	[bflag:$0x0] =	sbarrier.arrive $0xFFFF  }
0x212: {  	p0 =	sne.s32 s25, $0x0;
	_ =	strace $0x90000047  }
0x213: {  	s0 =	sadd.s32 @!p0 $0x100000, s26;
	[bflag:$0x2] =	sbarrier.arrive $0xFFFF  }
0x214: {  	[sflag:s0] =	ssyncadd.tile.s32 @!p0 $0x1;
	_ =	shalt  }
.LBB2_1:
.Ltmp3:
0x215: {  	(pc) =	sbr.rel .LBB2_6-.Ltmp3, $2  }
0x216: {  	_ =	sdelay $0x2  }
0x217: {  	_ = 	snop  }
.LBB2_3:
.Ltmp4:
0x218: {  	(pc) =	sbr.rel .LBB2_6-.Ltmp4, $2  }
0x219: {  	_ =	sdelay $0x2  }
0x21a: {  	s25 =	stileid.u32;
	s26 =	rddreg [dreg:$0x3]  }
.Lfunc_end2:
_tile_overlayer_lowered:
.L_overlay_start_2:
0x21b: {  	(tag) =	ssettag $0x2  }
0x21c: {  	s0 =	rddreg [dreg:$0x0];
	s2 =	stileid.u32  }
0x21d: {  	s1 =	rddreg [dreg:$0x1];
	p0 =	sne.s32 s2, $0x0  }
0x21e: {  	s3 =	rddreg [dreg:$0x2];
	[bflag:$0x3] =	sbarrier.arrive $0xFFFF;
	s2 =	simm.s32 @!p0 $0x1C05  }
0x21f: {  	[timem:s3], [sflag:s2] =	dma.local @!p0 [hbm:s0], s1  }
0x220: {  	s0 =	simm.s32 @!p0 $0x5  }
0x221: {  	_ =	swait.ge @!p0 [sflag:s0], s1  }
0x222: {  	s1 =	ssub.s32 @!p0 $0x0, s1;
	[sflag:s0] =	ssyncset.done @!p0 $0x0  }
0x223: {  	[sflag:s0] =	ssyncadd.s32 @!p0 s1  }
0x224: {  	[bflag:$0x3] =	sbarrier.arrive $0xFFFF  }
0x225: {  	_ =	shalt  }

</sc_bundles>
